<compile_context>
chip_gen: v7x
topology: tpu7x:2x2x1
jax: 0.10.2.dev20260603
libtpu: 0.0.44.dev20260713+nightly
codegen_flags: <defaults>
</compile_context>

<pallas_src>
import functools
import math

import numpy as np
import jax
import jax.numpy as jnp
from jax import lax
from jax.experimental import pallas as pl
from jax.experimental.pallas import tpu as pltpu
from jax.experimental.pallas import tpu_sc as plsc

_N_SPH = 7
_N_RAD = 6
_CUTOFF = 5.0
_P_ENV = 6


def _sph_jn(l, x):
    j0 = math.sin(x) / x
    if l == 0:
        return j0
    jm1 = j0
    j = math.sin(x) / x ** 2 - math.cos(x) / x
    for i in range(2, l + 1):
        jm1, j = j, (2 * i - 1) / x * j - jm1
    return j


def _bessel_zeros(n, k):
    zerosj = np.zeros((n, k))
    zerosj[0] = np.arange(1, k + 1) * np.pi
    points = np.arange(1, k + n) * np.pi
    racines = np.zeros(k + n - 1)
    for i in range(1, n):
        for j in range(k + n - 1 - i):
            a = points[j]
            b = points[j + 1]
            fa = _sph_jn(i, a)
            for _ in range(200):
                m = 0.5 * (a + b)
                fm = _sph_jn(i, m)
                if fa * fm <= 0.0:
                    b = m
                else:
                    a = m
                    fa = fm
            racines[j] = 0.5 * (a + b)
        points = racines.copy()
        zerosj[i, :k] = racines[:k]
    return zerosj


_ZER = _bessel_zeros(_N_SPH, _N_RAD)
_NRM = np.zeros((_N_SPH, _N_RAD))
for _l in range(_N_SPH):
    for _i in range(_N_RAD):
        _NRM[_l, _i] = 1.0 / math.sqrt(0.5 * _sph_jn(_l + 1, _ZER[_l, _i]) ** 2)

_PREF = [math.sqrt((2 * l + 1) / (4.0 * math.pi)) for l in range(_N_SPH)]
_CONST = np.zeros((8, _N_SPH * _N_RAD), np.float32)
_CONST[0] = _ZER.reshape(-1)
for _l in range(_N_SPH):
    _CONST[1 + _l, _l * _N_RAD:(_l + 1) * _N_RAD] = _NRM[_l] * _PREF[_l]



@functools.cache
def _sc_gather(T):
    info = plsc.get_sparse_core_info()
    nw = info.num_cores * info.num_subcores
    per_w = T // nw
    assert per_w * nw == T and per_w % 8 == 0
    mesh = plsc.VectorSubcoreMesh(core_axis_name="c", subcore_axis_name="s")

    @functools.partial(
        pl.kernel,
        mesh=mesh,
        out_type=jax.ShapeDtypeStruct((T,), jnp.float32),
        scratch_types=[
            pltpu.VMEM((per_w,), jnp.int32),
            pltpu.VMEM((per_w,), jnp.float32),
            pltpu.SemaphoreType.DMA,
        ],
    )
    def gather_k(dist_hbm, idx_hbm, out_hbm, idx_v, vals_v, sem):
        wid = lax.axis_index("s") * info.num_cores + lax.axis_index("c")
        base = wid * per_w
        pltpu.sync_copy(idx_hbm.at[pl.ds(base, per_w)], idx_v)
        pltpu.async_copy(dist_hbm.at[idx_v], vals_v, sem).wait()
        pltpu.sync_copy(vals_v, out_hbm.at[pl.ds(base, per_w)])

    return gather_k



_NC = _N_SPH * _N_RAD
_PACK = 3

_P1 = 1.5703125
_P2 = float(np.float32(math.pi / 2 - _P1))
_P3 = float(np.float32(math.pi / 2 - _P1 - np.float32(math.pi / 2 - _P1)))
_TWO_OVER_PI = float(np.float32(2.0 / math.pi))


def _sincos(a):
    t = a * _TWO_OVER_PI
    n_f = jnp.floor(t + 0.5)
    n_i = n_f.astype(jnp.int32)
    r = a - n_f * _P1
    r = r - n_f * _P2
    r = r - n_f * _P3
    r2 = r * r
    sp = r + (r2 * r) * (-1.6666654611e-1 + r2 * (8.3321608736e-3 + r2 * -1.9515295891e-4))
    cp = (1.0 - 0.5 * r2) + (r2 * r2) * (4.166664568298827e-2 + r2 * (-1.388731625493765e-3 + r2 * 2.443315711809948e-5))
    swap = (n_i & 1) == 1
    s = jnp.where(swap, cp, sp)
    c = jnp.where(swap, sp, cp)
    s = jnp.where((n_i & 2) == 2, -s, s)
    c = jnp.where(((n_i + 1) & 2) == 2, -c, c)
    return s, c


def _basis_body(const_ref, dg_ref, ang_ref, out_ref):
    bt = out_ref.shape[0]
    m = dg_ref.shape[0]
    mp = m // _PACK
    h = bt // _PACK
    nc = _NC

    v2 = dg_ref[...]
    a2 = ang_ref[...]

    def colc(k):
        return lax.broadcast_in_dim(const_ref[:, k:k + 1], (mp, nc, 128), (1, 2))

    zc = colc(0)
    wc = [colc(1 + l) for l in range(_N_SPH)]

    for p in range(_PACK):
        x = lax.broadcast_in_dim(v2[p * mp:(p + 1) * mp, :], (mp, nc, 128), (0, 2)) * (1.0 / _CUTOFF)
        ang = lax.broadcast_in_dim(a2[p * mp:(p + 1) * mp, :], (mp, nc, 128), (0, 2))

        inv_x = 1.0 / x
        x2 = x * x
        x5 = x2 * x2 * x
        env = inv_x + x5 * (-28.0 + x * (48.0 + x * -21.0))
        env = jnp.where(x < 1.0, env, 0.0)

        a = x * zc
        s, c = _sincos(a)
        j_prev = s / a
        j_cur = s / (a * a) - c / a

        _, cth = _sincos(ang)
        p_prev = jnp.ones_like(cth)
        p_cur = cth

        acc = wc[0] * j_prev
        acc = acc + wc[1] * (p_cur * j_cur)
        for l in range(2, _N_SPH):
            j_prev, j_cur = j_cur, ((2 * l - 1) / a) * j_cur - j_prev
            p_prev, p_cur = p_cur, ((2 * l - 1) * cth * p_cur - (l - 1) * p_prev) / l
            acc = acc + wc[l] * (p_cur * j_cur)

        res = env * acc
        rt = jnp.transpose(res, (0, 2, 1))
        out_ref[p * h:(p + 1) * h, :] = rt.reshape(h, nc)


@functools.cache
def _tc_basis(T, bt):
    grid = pl.cdiv(T, bt)
    assert bt % (_PACK * 1024) == 0
    return pl.pallas_call(
        _basis_body,
        grid=(grid,),
        in_specs=[
            pl.BlockSpec((_NC, 8), lambda i: (0, 0)),
            pl.BlockSpec((bt // 128, 128), lambda i: (i, 0)),
            pl.BlockSpec((bt // 128, 128), lambda i: (i, 0)),
        ],
        out_specs=pl.BlockSpec((bt, _NC), lambda i: (i, 0)),
        out_shape=jax.ShapeDtypeStruct((T, _NC), jnp.float32),
    )


def kernel(dist, angle, edge_idx_kj):
    T = angle.shape[0]
    dist_g = _sc_gather(T)(dist, edge_idx_kj)
    const = jnp.asarray(_CONST.T.copy())
    return _tc_basis(T, 24576)(const, dist_g.reshape(T // 128, 128), angle.reshape(T // 128, 128))

# --- scband reference (transcript-rebuilt; emitter-appended) ---
"""Pipeline reference for scband-bessel-sb-24343874634183 (READ-ONLY COPY).

The authoritative reference and input builder live on the scoring server;
editing this copy changes nothing except your own understanding.
"""

import jax, jax.numpy as jnp
import numpy as np
import math

N_SPHERICAL = 7
N_RADIAL = 6
CUTOFF = 5.0
ENV_EXPONENT = 5
E_EDGES = 1600000
T_TRIPLETS = 1600000

def _sph_jn_scalar(l, x):
    j0 = math.sin(x) / x
    if l == 0:
        return j0
    jm1 = j0
    j = math.sin(x) / x ** 2 - math.cos(x) / x
    for i in range(2, l + 1):
        jm1, j = j, (2 * i - 1) / x * j - jm1
    return j

def _jn_zeros(n, k):
    zerosj = np.zeros((n, k))
    zerosj[0] = np.arange(1, k + 1) * np.pi
    points = np.arange(1, k + n) * np.pi
    racines = np.zeros(k + n - 1)
    for i in range(1, n):
        for j in range(k + n - 1 - i):
            a = points[j]
            b = points[j + 1]
            fa = _sph_jn_scalar(i, a)
            for _ in range(200):
                m = 0.5 * (a + b)
                fm = _sph_jn_scalar(i, m)
                if fa * fm <= 0.0:
                    b = m
                else:
                    a = m
                    fa = fm
            racines[j] = 0.5 * (a + b)
        points = racines.copy()
        zerosj[i, :k] = racines[:k]
    return zerosj

_ZEROS = _jn_zeros(N_SPHERICAL, N_RADIAL)
_NORM = np.zeros((N_SPHERICAL, N_RADIAL))
for _l in range(N_SPHERICAL):
    for _i in range(N_RADIAL):
        _NORM[_l, _i] = 1.0 / math.sqrt(0.5 * _sph_jn_scalar(_l + 1, _ZEROS[_l, _i]) ** 2)

def _sph_jn_array(l, x):
    j0 = jnp.sin(x) / x
    if l == 0:
        return j0
    jm1 = j0
    j = jnp.sin(x) / x ** 2 - jnp.cos(x) / x
    for i in range(2, l + 1):
        jm1, j = j, (2 * i - 1) / x * j - jm1
    return j

def _envelope(dist):
    p = ENV_EXPONENT + 1
    a = -(p + 1) * (p + 2) / 2.0
    b = float(p * (p + 2))
    c = -p * (p + 1) / 2.0
    x = dist / CUTOFF
    env = 1.0 / x + a * x ** (p - 1) + b * x ** p + c * x ** (p + 1)
    return jnp.where(x < 1.0, env, jnp.zeros_like(env))

def setup_inputs(seed: int = 0):
    key = jax.random.key(seed)
    k1, k2, k3 = jax.random.split(key, 3)
    dist = jax.random.uniform(k1, (E_EDGES,), dtype=jnp.float32, minval=0.05, maxval=1.0) * CUTOFF
    angle = jax.random.uniform(k2, (T_TRIPLETS,), dtype=jnp.float32) * math.pi
    edge_idx_kj = jax.random.randint(k3, (T_TRIPLETS,), 0, E_EDGES, dtype=jnp.int32)
    return {"dist": dist, "angle": angle, "edge_idx_kj": edge_idx_kj}

def reference(dist, angle, edge_idx_kj):
    x = dist / CUTOFF
    rbf_cols = []
    for l in range(N_SPHERICAL):
        for i in range(N_RADIAL):
            rbf_cols.append(float(_NORM[l, i]) * _sph_jn_array(l, float(_ZEROS[l, i]) * x))
    rbf = jnp.stack(rbf_cols, axis=1)
    rbf = _envelope(dist)[:, None] * rbf
    cth = jnp.cos(angle)
    ps = [jnp.ones_like(cth), cth]
    for l in range(2, N_SPHERICAL):
        ps.append(((2 * l - 1) * cth * ps[l - 1] - (l - 1) * ps[l - 2]) / l)
    cbf_cols = []
    for l in range(N_SPHERICAL):
        pref = math.sqrt((2 * l + 1) / (4.0 * math.pi))
        if l == 0:
            cbf_cols.append(jnp.zeros_like(angle) + pref)
        else:
            cbf_cols.append(pref * ps[l])
    cbf = jnp.stack(cbf_cols, axis=1)
    n = N_SPHERICAL
    k = N_RADIAL
    out = (rbf[edge_idx_kj].reshape(-1, n, k) * cbf.reshape(-1, n, 1)).reshape(-1, n * k)
    return out

if __name__ == "__main__":
    import jax
    _d = setup_inputs()
    print(jax.jit(kernel)(*tuple(_d.values())))

</pallas_src>

<mosaic_0001>
#map = affine_map<(d0, d1) -> (0)>
module attributes {stable_mosaic.version = 14 : i64} {
  func.func @gather_k(%arg0: i32, %arg1: i32, %arg2: memref<1600000xf32, #tpu.memory_space<hbm>>, %arg3: memref<1600000xi32, #tpu.memory_space<hbm>>, %arg4: memref<1600000xf32, #tpu.memory_space<hbm>>, %arg5: memref<50000xi32, #tpu.memory_space<vmem>>, %arg6: memref<50000xf32, #tpu.memory_space<vmem>>, %arg7: memref<!tpu.dma_semaphore, #tpu.memory_space<semaphore_mem>>) attributes {dimension_semantics = [#tpu.dimension_semantics<core_parallel>, #tpu.dimension_semantics<subcore_parallel>], iteration_bounds = array<i64: 2, 16>, scalar_prefetch = 0 : i64, scratch_operands = 3 : i64, tpu.core_type = #tpu.core_type<sc_vector_subcore>, window_params = [{transform_indices = #map}, {transform_indices = #map}, {transform_indices = #map}]} {
    %mul3A = arith.constant 2 : i32
    %mul3A_0 = arith.muli %arg1, %mul3A : i32
    %add3A = arith.addi %mul3A_0, %arg0 : i32
    %mul3A_1 = arith.constant 50000 : i32
    %mul3A_2 = arith.muli %add3A, %mul3A_1 : i32
    "tpu.region"() ({
      %run_scoped3A = tpu.sem_alloc : memref<!tpu.dma_semaphore, #tpu.memory_space<semaphore_mem>>
      %dma_start3A_5 = tpu.memref_slice %arg3[%mul3A_2] : memref<1600000xi32, #tpu.memory_space<hbm>> -> memref<50000xi32, #tpu.memory_space<hbm>>
      %dma_start3A_6 = tpu.memref_slice %arg3[%mul3A_2] : memref<1600000xi32, #tpu.memory_space<hbm>> -> memref<50000xi32, #tpu.memory_space<hbm>>
      tpu.enqueue_dma source(%dma_start3A_6 : memref<50000xi32, #tpu.memory_space<hbm>>) target(%arg5 : memref<50000xi32, #tpu.memory_space<vmem>>) target_semaphore(%run_scoped3A : memref<!tpu.dma_semaphore, #tpu.memory_space<semaphore_mem>>)
      %dma_wait3A_7 = tpu.memref_slice %arg3[%mul3A_2] : memref<1600000xi32, #tpu.memory_space<hbm>> -> memref<50000xi32, #tpu.memory_space<hbm>>
      %dma_wait3A_8 = tpu.memref_slice %arg3[%mul3A_2] : memref<1600000xi32, #tpu.memory_space<hbm>> -> memref<50000xi32, #tpu.memory_space<hbm>>
      tpu.wait_dma2 semaphore(%run_scoped3A : memref<!tpu.dma_semaphore, #tpu.memory_space<semaphore_mem>>) src(%dma_wait3A_8 : memref<50000xi32, #tpu.memory_space<hbm>>) dst(%arg5 : memref<50000xi32, #tpu.memory_space<vmem>>)
      tpu.yield
    }) : () -> ()
    %dma_start3A = arith.constant 0 : i32
    %dma_start3A_3 = tpu.memref_slice %arg2[%dma_start3A] : memref<1600000xf32, #tpu.memory_space<hbm>> -> memref<1600000xf32, #tpu.memory_space<hbm>>
    tpu.enqueue_indirect_dma source(%dma_start3A_3 : memref<1600000xf32, #tpu.memory_space<hbm>>) target(%arg6 : memref<50000xf32, #tpu.memory_space<vmem>>) offsets(%arg5 : memref<50000xi32, #tpu.memory_space<vmem>>) semaphore(%arg7 : memref<!tpu.dma_semaphore, #tpu.memory_space<semaphore_mem>>)
    %dma_wait3A = arith.constant 0 : i32
    %dma_wait3A_4 = tpu.memref_slice %arg2[%dma_wait3A] : memref<1600000xf32, #tpu.memory_space<hbm>> -> memref<1600000xf32, #tpu.memory_space<hbm>>
    tpu.wait_indirect_dma semaphore(%arg7 : memref<!tpu.dma_semaphore, #tpu.memory_space<semaphore_mem>>) src(%dma_wait3A_4 : memref<1600000xf32, #tpu.memory_space<hbm>>) dst(%arg6 : memref<50000xf32, #tpu.memory_space<vmem>>)
    "tpu.region"() ({
      %run_scoped3A = tpu.sem_alloc : memref<!tpu.dma_semaphore, #tpu.memory_space<semaphore_mem>>
      %dma_start3A_5 = tpu.memref_slice %arg4[%mul3A_2] : memref<1600000xf32, #tpu.memory_space<hbm>> -> memref<50000xf32, #tpu.memory_space<hbm>>
      %dma_start3A_6 = tpu.memref_slice %arg4[%mul3A_2] : memref<1600000xf32, #tpu.memory_space<hbm>> -> memref<50000xf32, #tpu.memory_space<hbm>>
      tpu.enqueue_dma source(%arg6 : memref<50000xf32, #tpu.memory_space<vmem>>) target(%dma_start3A_6 : memref<50000xf32, #tpu.memory_space<hbm>>) target_semaphore(%run_scoped3A : memref<!tpu.dma_semaphore, #tpu.memory_space<semaphore_mem>>)
      %dma_wait3A_7 = tpu.memref_slice %arg4[%mul3A_2] : memref<1600000xf32, #tpu.memory_space<hbm>> -> memref<50000xf32, #tpu.memory_space<hbm>>
      %dma_wait3A_8 = tpu.memref_slice %arg4[%mul3A_2] : memref<1600000xf32, #tpu.memory_space<hbm>> -> memref<50000xf32, #tpu.memory_space<hbm>>
      tpu.wait_dma2 semaphore(%run_scoped3A : memref<!tpu.dma_semaphore, #tpu.memory_space<semaphore_mem>>) src(%arg6 : memref<50000xf32, #tpu.memory_space<vmem>>) dst(%dma_wait3A_8 : memref<50000xf32, #tpu.memory_space<hbm>>)
      tpu.yield
    }) : () -> ()
    return
  }
}

module attributes {stable_mosaic.version = 14 : i64} {
  func.func @_basis_body(%arg0: i32, %arg1: memref<42x8xf32, #tpu.memory_space<vmem>>, %arg2: memref<192x128xf32, #tpu.memory_space<vmem>>, %arg3: memref<192x128xf32, #tpu.memory_space<vmem>>, %arg4: memref<24576x42xf32, #tpu.memory_space<vmem>>) attributes {dimension_semantics = [#tpu.dimension_semantics<arbitrary>], iteration_bounds = array<i64: 66>, scalar_prefetch = 0 : i64, scratch_operands = 0 : i64, tpu.core_type = #tpu.core_type<tc>, window_params = [{pipeline_mode = #tpu.pipeline_mode<synchronous>, transform_indices = @transform_0, window_bounds = array<i64: 42, 8>}, {transform_indices = @transform_1, window_bounds = array<i64: 192, 128>}, {transform_indices = @transform_2, window_bounds = array<i64: 192, 128>}, {transform_indices = @transform_3, window_bounds = array<i64: 24576, 42>}]} {
    %get3A = arith.constant 0 : index
    %get3A_0 = arith.constant 0 : index
    %get3A_1 = vector.load %arg2[%get3A, %get3A_0] : memref<192x128xf32, #tpu.memory_space<vmem>>, vector<192x128xf32>
    %get3A_2 = arith.constant 0 : index
    %get3A_3 = arith.constant 0 : index
    %get3A_4 = vector.load %arg3[%get3A_2, %get3A_3] : memref<192x128xf32, #tpu.memory_space<vmem>>, vector<192x128xf32>
    %get3A_5 = arith.constant 0 : index
    %get3A_6 = arith.constant 0 : index
    %get3A_7 = vector.load %arg1[%get3A_5, %get3A_6] : memref<42x8xf32, #tpu.memory_space<vmem>>, vector<42x1xf32>
    %broadcast_in_dim3A = vector.shape_cast %get3A_7 : vector<42x1xf32> to vector<1x42x1xf32>
    %broadcast_in_dim3A_8 = vector.broadcast %broadcast_in_dim3A : vector<1x42x1xf32> to vector<64x42x128xf32>
    %get3A_9 = arith.constant 0 : index
    %get3A_10 = arith.constant 1 : index
    %get3A_11 = vector.load %arg1[%get3A_9, %get3A_10] : memref<42x8xf32, #tpu.memory_space<vmem>>, vector<42x1xf32>
    %broadcast_in_dim3A_12 = vector.shape_cast %get3A_11 : vector<42x1xf32> to vector<1x42x1xf32>
    %broadcast_in_dim3A_13 = vector.broadcast %broadcast_in_dim3A_12 : vector<1x42x1xf32> to vector<64x42x128xf32>
    %get3A_14 = arith.constant 0 : index
    %get3A_15 = arith.constant 2 : index
    %get3A_16 = vector.load %arg1[%get3A_14, %get3A_15] : memref<42x8xf32, #tpu.memory_space<vmem>>, vector<42x1xf32>
    %broadcast_in_dim3A_17 = vector.shape_cast %get3A_16 : vector<42x1xf32> to vector<1x42x1xf32>
    %broadcast_in_dim3A_18 = vector.broadcast %broadcast_in_dim3A_17 : vector<1x42x1xf32> to vector<64x42x128xf32>
    %get3A_19 = arith.constant 0 : index
    %get3A_20 = arith.constant 3 : index
    %get3A_21 = vector.load %arg1[%get3A_19, %get3A_20] : memref<42x8xf32, #tpu.memory_space<vmem>>, vector<42x1xf32>
    %broadcast_in_dim3A_22 = vector.shape_cast %get3A_21 : vector<42x1xf32> to vector<1x42x1xf32>
    %broadcast_in_dim3A_23 = vector.broadcast %broadcast_in_dim3A_22 : vector<1x42x1xf32> to vector<64x42x128xf32>
    %get3A_24 = arith.constant 0 : index
    %get3A_25 = arith.constant 4 : index
    %get3A_26 = vector.load %arg1[%get3A_24, %get3A_25] : memref<42x8xf32, #tpu.memory_space<vmem>>, vector<42x1xf32>
    %broadcast_in_dim3A_27 = vector.shape_cast %get3A_26 : vector<42x1xf32> to vector<1x42x1xf32>
    %broadcast_in_dim3A_28 = vector.broadcast %broadcast_in_dim3A_27 : vector<1x42x1xf32> to vector<64x42x128xf32>
    %get3A_29 = arith.constant 0 : index
    %get3A_30 = arith.constant 5 : index
    %get3A_31 = vector.load %arg1[%get3A_29, %get3A_30] : memref<42x8xf32, #tpu.memory_space<vmem>>, vector<42x1xf32>
    %broadcast_in_dim3A_32 = vector.shape_cast %get3A_31 : vector<42x1xf32> to vector<1x42x1xf32>
    %broadcast_in_dim3A_33 = vector.broadcast %broadcast_in_dim3A_32 : vector<1x42x1xf32> to vector<64x42x128xf32>
    %get3A_34 = arith.constant 0 : index
    %get3A_35 = arith.constant 6 : index
    %get3A_36 = vector.load %arg1[%get3A_34, %get3A_35] : memref<42x8xf32, #tpu.memory_space<vmem>>, vector<42x1xf32>
    %broadcast_in_dim3A_37 = vector.shape_cast %get3A_36 : vector<42x1xf32> to vector<1x42x1xf32>
    %broadcast_in_dim3A_38 = vector.broadcast %broadcast_in_dim3A_37 : vector<1x42x1xf32> to vector<64x42x128xf32>
    %get3A_39 = arith.constant 0 : index
    %get3A_40 = arith.constant 7 : index
    %get3A_41 = vector.load %arg1[%get3A_39, %get3A_40] : memref<42x8xf32, #tpu.memory_space<vmem>>, vector<42x1xf32>
    %broadcast_in_dim3A_42 = vector.shape_cast %get3A_41 : vector<42x1xf32> to vector<1x42x1xf32>
    %broadcast_in_dim3A_43 = vector.broadcast %broadcast_in_dim3A_42 : vector<1x42x1xf32> to vector<64x42x128xf32>
    %slice3A = vector.extract_strided_slice %get3A_1 {offsets = [0, 0], sizes = [64, 128], strides = [1, 1]} : vector<192x128xf32> to vector<64x128xf32>
    %broadcast_in_dim3A_44 = vector.shape_cast %slice3A : vector<64x128xf32> to vector<64x1x128xf32>
    %broadcast_in_dim3A_45 = vector.broadcast %broadcast_in_dim3A_44 : vector<64x1x128xf32> to vector<64x42x128xf32>
    %mul3A = arith.constant 2.000000e-01 : f32
    %mul3A_46 = vector.broadcast %mul3A : f32 to vector<64x42x128xf32>
    %mul3A_47 = arith.mulf %broadcast_in_dim3A_45, %mul3A_46 : vector<64x42x128xf32>
    %slice3A_48 = vector.extract_strided_slice %get3A_4 {offsets = [0, 0], sizes = [64, 128], strides = [1, 1]} : vector<192x128xf32> to vector<64x128xf32>
    %broadcast_in_dim3A_49 = vector.shape_cast %slice3A_48 : vector<64x128xf32> to vector<64x1x128xf32>
    %broadcast_in_dim3A_50 = vector.broadcast %broadcast_in_dim3A_49 : vector<64x1x128xf32> to vector<64x42x128xf32>
    %div3A = arith.constant 1.000000e+00 : f32
    %div3A_51 = vector.broadcast %div3A : f32 to vector<64x42x128xf32>
    %div3A_52 = arith.divf %div3A_51, %mul3A_47 : vector<64x42x128xf32>
    %mul3A_53 = arith.mulf %mul3A_47, %mul3A_47 : vector<64x42x128xf32>
    %mul3A_54 = arith.mulf %mul3A_53, %mul3A_53 : vector<64x42x128xf32>
    %mul3A_55 = arith.mulf %mul3A_54, %mul3A_47 : vector<64x42x128xf32>
    %mul3A_56 = arith.constant -2.100000e+01 : f32
    %mul3A_57 = vector.broadcast %mul3A_56 : f32 to vector<64x42x128xf32>
    %mul3A_58 = arith.mulf %mul3A_47, %mul3A_57 : vector<64x42x128xf32>
    %add3A = arith.constant 4.800000e+01 : f32
    %add3A_59 = vector.broadcast %add3A : f32 to vector<64x42x128xf32>
    %add3A_60 = arith.addf %add3A_59, %mul3A_58 : vector<64x42x128xf32>
    %mul3A_61 = arith.mulf %mul3A_47, %add3A_60 : vector<64x42x128xf32>
    %add3A_62 = arith.constant -2.800000e+01 : f32
    %add3A_63 = vector.broadcast %add3A_62 : f32 to vector<64x42x128xf32>
    %add3A_64 = arith.addf %add3A_63, %mul3A_61 : vector<64x42x128xf32>
    %mul3A_65 = arith.mulf %mul3A_55, %add3A_64 : vector<64x42x128xf32>
    %add3A_66 = arith.addf %div3A_52, %mul3A_65 : vector<64x42x128xf32>
    %lt3A = arith.constant 1.000000e+00 : f32
    %lt3A_67 = vector.broadcast %lt3A : f32 to vector<64x42x128xf32>
    %lt3A_68 = arith.cmpf olt, %mul3A_47, %lt3A_67 : vector<64x42x128xf32>
    %jit3A = arith.constant 0.000000e+00 : f32
    %broadcast_in_dim3A_69 = vector.broadcast %jit3A : f32 to vector<64x42x128xf32>
    %select_n3A = arith.select %lt3A_68, %add3A_66, %broadcast_in_dim3A_69 : vector<64x42x128xi1>, vector<64x42x128xf32>
    %mul3A_70 = arith.mulf %mul3A_47, %broadcast_in_dim3A_8 : vector<64x42x128xf32>
    %mul3A_71 = arith.constant 0.636619746 : f32
    %mul3A_72 = vector.broadcast %mul3A_71 : f32 to vector<64x42x128xf32>
    %mul3A_73 = arith.mulf %mul3A_70, %mul3A_72 : vector<64x42x128xf32>
    %add3A_74 = arith.constant 5.000000e-01 : f32
    %add3A_75 = vector.broadcast %add3A_74 : f32 to vector<64x42x128xf32>
    %add3A_76 = arith.addf %mul3A_73, %add3A_75 : vector<64x42x128xf32>
    %floor3A = math.floor %add3A_76 : vector<64x42x128xf32>
    %convert_element_type3A = arith.fptosi %floor3A : vector<64x42x128xf32> to vector<64x42x128xi32>
    %mul3A_77 = arith.constant 1.5703125 : f32
    %mul3A_78 = vector.broadcast %mul3A_77 : f32 to vector<64x42x128xf32>
    %mul3A_79 = arith.mulf %floor3A, %mul3A_78 : vector<64x42x128xf32>
    %sub3A = arith.subf %mul3A_70, %mul3A_79 : vector<64x42x128xf32>
    %mul3A_80 = arith.constant 4.83826792E-4 : f32
    %mul3A_81 = vector.broadcast %mul3A_80 : f32 to vector<64x42x128xf32>
    %mul3A_82 = arith.mulf %floor3A, %mul3A_81 : vector<64x42x128xf32>
    %sub3A_83 = arith.subf %sub3A, %mul3A_82 : vector<64x42x128xf32>
    %mul3A_84 = arith.constant 0.000000e+00 : f32
    %mul3A_85 = vector.broadcast %mul3A_84 : f32 to vector<64x42x128xf32>
    %mul3A_86 = arith.mulf %floor3A, %mul3A_85 : vector<64x42x128xf32>
    %sub3A_87 = arith.subf %sub3A_83, %mul3A_86 : vector<64x42x128xf32>
    %mul3A_88 = arith.mulf %sub3A_87, %sub3A_87 : vector<64x42x128xf32>
    %mul3A_89 = arith.mulf %mul3A_88, %sub3A_87 : vector<64x42x128xf32>
    %mul3A_90 = arith.constant -1.95152956E-4 : f32
    %mul3A_91 = vector.broadcast %mul3A_90 : f32 to vector<64x42x128xf32>
    %mul3A_92 = arith.mulf %mul3A_88, %mul3A_91 : vector<64x42x128xf32>
    %add3A_93 = arith.constant 0.00833216123 : f32
    %add3A_94 = vector.broadcast %add3A_93 : f32 to vector<64x42x128xf32>
    %add3A_95 = arith.addf %add3A_94, %mul3A_92 : vector<64x42x128xf32>
    %mul3A_96 = arith.mulf %mul3A_88, %add3A_95 : vector<64x42x128xf32>
    %add3A_97 = arith.constant -0.166666552 : f32
    %add3A_98 = vector.broadcast %add3A_97 : f32 to vector<64x42x128xf32>
    %add3A_99 = arith.addf %add3A_98, %mul3A_96 : vector<64x42x128xf32>
    %mul3A_100 = arith.mulf %mul3A_89, %add3A_99 : vector<64x42x128xf32>
    %add3A_101 = arith.addf %sub3A_87, %mul3A_100 : vector<64x42x128xf32>
    %mul3A_102 = arith.constant 5.000000e-01 : f32
    %mul3A_103 = vector.broadcast %mul3A_102 : f32 to vector<64x42x128xf32>
    %mul3A_104 = arith.mulf %mul3A_103, %mul3A_88 : vector<64x42x128xf32>
    %sub3A_105 = arith.constant 1.000000e+00 : f32
    %sub3A_106 = vector.broadcast %sub3A_105 : f32 to vector<64x42x128xf32>
    %sub3A_107 = arith.subf %sub3A_106, %mul3A_104 : vector<64x42x128xf32>
    %mul3A_108 = arith.mulf %mul3A_88, %mul3A_88 : vector<64x42x128xf32>
    %mul3A_109 = arith.constant 2.44331568E-5 : f32
    %mul3A_110 = vector.broadcast %mul3A_109 : f32 to vector<64x42x128xf32>
    %mul3A_111 = arith.mulf %mul3A_88, %mul3A_110 : vector<64x42x128xf32>
    %add3A_112 = arith.constant -0.00138873165 : f32
    %add3A_113 = vector.broadcast %add3A_112 : f32 to vector<64x42x128xf32>
    %add3A_114 = arith.addf %add3A_113, %mul3A_111 : vector<64x42x128xf32>
    %mul3A_115 = arith.mulf %mul3A_88, %add3A_114 : vector<64x42x128xf32>
    %add3A_116 = arith.constant 0.0416666456 : f32
    %add3A_117 = vector.broadcast %add3A_116 : f32 to vector<64x42x128xf32>
    %add3A_118 = arith.addf %add3A_117, %mul3A_115 : vector<64x42x128xf32>
    %mul3A_119 = arith.mulf %mul3A_108, %add3A_118 : vector<64x42x128xf32>
    %add3A_120 = arith.addf %sub3A_107, %mul3A_119 : vector<64x42x128xf32>
    %and3A = arith.constant 1 : i32
    %and3A_121 = vector.broadcast %and3A : i32 to vector<64x42x128xi32>
    %and3A_122 = arith.andi %convert_element_type3A, %and3A_121 : vector<64x42x128xi32>
    %eq3A = arith.constant 1 : i32
    %eq3A_123 = vector.broadcast %eq3A : i32 to vector<64x42x128xi32>
    %eq3A_124 = arith.cmpi eq, %and3A_122, %eq3A_123 : vector<64x42x128xi32>
    %select_n3A_125 = arith.select %eq3A_124, %add3A_120, %add3A_101 : vector<64x42x128xi1>, vector<64x42x128xf32>
    %select_n3A_126 = arith.select %eq3A_124, %add3A_101, %add3A_120 : vector<64x42x128xi1>, vector<64x42x128xf32>
    %and3A_127 = arith.constant 2 : i32
    %and3A_128 = vector.broadcast %and3A_127 : i32 to vector<64x42x128xi32>
    %and3A_129 = arith.andi %convert_element_type3A, %and3A_128 : vector<64x42x128xi32>
    %eq3A_130 = arith.constant 2 : i32
    %eq3A_131 = vector.broadcast %eq3A_130 : i32 to vector<64x42x128xi32>
    %eq3A_132 = arith.cmpi eq, %and3A_129, %eq3A_131 : vector<64x42x128xi32>
    %neg3A = arith.constant 0.000000e+00 : f32
    %neg3A_133 = vector.broadcast %neg3A : f32 to vector<64x42x128xf32>
    %neg3A_134 = arith.subf %neg3A_133, %select_n3A_125 : vector<64x42x128xf32>
    %select_n3A_135 = arith.select %eq3A_132, %neg3A_134, %select_n3A_125 : vector<64x42x128xi1>, vector<64x42x128xf32>
    %add3A_136 = arith.constant 1 : i32
    %add3A_137 = vector.broadcast %add3A_136 : i32 to vector<64x42x128xi32>
    %add3A_138 = arith.addi %convert_element_type3A, %add3A_137 : vector<64x42x128xi32>
    %and3A_139 = arith.constant 2 : i32
    %and3A_140 = vector.broadcast %and3A_139 : i32 to vector<64x42x128xi32>
    %and3A_141 = arith.andi %add3A_138, %and3A_140 : vector<64x42x128xi32>
    %eq3A_142 = arith.constant 2 : i32
    %eq3A_143 = vector.broadcast %eq3A_142 : i32 to vector<64x42x128xi32>
    %eq3A_144 = arith.cmpi eq, %and3A_141, %eq3A_143 : vector<64x42x128xi32>
    %neg3A_145 = arith.constant 0.000000e+00 : f32
    %neg3A_146 = vector.broadcast %neg3A_145 : f32 to vector<64x42x128xf32>
    %neg3A_147 = arith.subf %neg3A_146, %select_n3A_126 : vector<64x42x128xf32>
    %select_n3A_148 = arith.select %eq3A_144, %neg3A_147, %select_n3A_126 : vector<64x42x128xi1>, vector<64x42x128xf32>
    %div3A_149 = arith.divf %select_n3A_135, %mul3A_70 : vector<64x42x128xf32>
    %mul3A_150 = arith.mulf %mul3A_70, %mul3A_70 : vector<64x42x128xf32>
    %div3A_151 = arith.divf %select_n3A_135, %mul3A_150 : vector<64x42x128xf32>
    %div3A_152 = arith.divf %select_n3A_148, %mul3A_70 : vector<64x42x128xf32>
    %sub3A_153 = arith.subf %div3A_151, %div3A_152 : vector<64x42x128xf32>
    %mul3A_154 = arith.constant 0.636619746 : f32
    %mul3A_155 = vector.broadcast %mul3A_154 : f32 to vector<64x42x128xf32>
    %mul3A_156 = arith.mulf %broadcast_in_dim3A_50, %mul3A_155 : vector<64x42x128xf32>
    %add3A_157 = arith.constant 5.000000e-01 : f32
    %add3A_158 = vector.broadcast %add3A_157 : f32 to vector<64x42x128xf32>
    %add3A_159 = arith.addf %mul3A_156, %add3A_158 : vector<64x42x128xf32>
    %floor3A_160 = math.floor %add3A_159 : vector<64x42x128xf32>
    %convert_element_type3A_161 = arith.fptosi %floor3A_160 : vector<64x42x128xf32> to vector<64x42x128xi32>
    %mul3A_162 = arith.constant 1.5703125 : f32
    %mul3A_163 = vector.broadcast %mul3A_162 : f32 to vector<64x42x128xf32>
    %mul3A_164 = arith.mulf %floor3A_160, %mul3A_163 : vector<64x42x128xf32>
    %sub3A_165 = arith.subf %broadcast_in_dim3A_50, %mul3A_164 : vector<64x42x128xf32>
    %mul3A_166 = arith.constant 4.83826792E-4 : f32
    %mul3A_167 = vector.broadcast %mul3A_166 : f32 to vector<64x42x128xf32>
    %mul3A_168 = arith.mulf %floor3A_160, %mul3A_167 : vector<64x42x128xf32>
    %sub3A_169 = arith.subf %sub3A_165, %mul3A_168 : vector<64x42x128xf32>
    %mul3A_170 = arith.constant 0.000000e+00 : f32
    %mul3A_171 = vector.broadcast %mul3A_170 : f32 to vector<64x42x128xf32>
    %mul3A_172 = arith.mulf %floor3A_160, %mul3A_171 : vector<64x42x128xf32>
    %sub3A_173 = arith.subf %sub3A_169, %mul3A_172 : vector<64x42x128xf32>
    %mul3A_174 = arith.mulf %sub3A_173, %sub3A_173 : vector<64x42x128xf32>
    %mul3A_175 = arith.mulf %mul3A_174, %sub3A_173 : vector<64x42x128xf32>
    %mul3A_176 = arith.constant -1.95152956E-4 : f32
    %mul3A_177 = vector.broadcast %mul3A_176 : f32 to vector<64x42x128xf32>
    %mul3A_178 = arith.mulf %mul3A_174, %mul3A_177 : vector<64x42x128xf32>
    %add3A_179 = arith.constant 0.00833216123 : f32
    %add3A_180 = vector.broadcast %add3A_179 : f32 to vector<64x42x128xf32>
    %add3A_181 = arith.addf %add3A_180, %mul3A_178 : vector<64x42x128xf32>
    %mul3A_182 = arith.mulf %mul3A_174, %add3A_181 : vector<64x42x128xf32>
    %add3A_183 = arith.constant -0.166666552 : f32
    %add3A_184 = vector.broadcast %add3A_183 : f32 to vector<64x42x128xf32>
    %add3A_185 = arith.addf %add3A_184, %mul3A_182 : vector<64x42x128xf32>
    %mul3A_186 = arith.mulf %mul3A_175, %add3A_185 : vector<64x42x128xf32>
    %add3A_187 = arith.addf %sub3A_173, %mul3A_186 : vector<64x42x128xf32>
    %mul3A_188 = arith.constant 5.000000e-01 : f32
    %mul3A_189 = vector.broadcast %mul3A_188 : f32 to vector<64x42x128xf32>
    %mul3A_190 = arith.mulf %mul3A_189, %mul3A_174 : vector<64x42x128xf32>
    %sub3A_191 = arith.constant 1.000000e+00 : f32
    %sub3A_192 = vector.broadcast %sub3A_191 : f32 to vector<64x42x128xf32>
    %sub3A_193 = arith.subf %sub3A_192, %mul3A_190 : vector<64x42x128xf32>
    %mul3A_194 = arith.mulf %mul3A_174, %mul3A_174 : vector<64x42x128xf32>
    %mul3A_195 = arith.constant 2.44331568E-5 : f32
    %mul3A_196 = vector.broadcast %mul3A_195 : f32 to vector<64x42x128xf32>
    %mul3A_197 = arith.mulf %mul3A_174, %mul3A_196 : vector<64x42x128xf32>
    %add3A_198 = arith.constant -0.00138873165 : f32
    %add3A_199 = vector.broadcast %add3A_198 : f32 to vector<64x42x128xf32>
    %add3A_200 = arith.addf %add3A_199, %mul3A_197 : vector<64x42x128xf32>
    %mul3A_201 = arith.mulf %mul3A_174, %add3A_200 : vector<64x42x128xf32>
    %add3A_202 = arith.constant 0.0416666456 : f32
    %add3A_203 = vector.broadcast %add3A_202 : f32 to vector<64x42x128xf32>
    %add3A_204 = arith.addf %add3A_203, %mul3A_201 : vector<64x42x128xf32>
    %mul3A_205 = arith.mulf %mul3A_194, %add3A_204 : vector<64x42x128xf32>
    %add3A_206 = arith.addf %sub3A_193, %mul3A_205 : vector<64x42x128xf32>
    %and3A_207 = arith.constant 1 : i32
    %and3A_208 = vector.broadcast %and3A_207 : i32 to vector<64x42x128xi32>
    %and3A_209 = arith.andi %convert_element_type3A_161, %and3A_208 : vector<64x42x128xi32>
    %eq3A_210 = arith.constant 1 : i32
    %eq3A_211 = vector.broadcast %eq3A_210 : i32 to vector<64x42x128xi32>
    %eq3A_212 = arith.cmpi eq, %and3A_209, %eq3A_211 : vector<64x42x128xi32>
    %select_n3A_213 = arith.select %eq3A_212, %add3A_187, %add3A_206 : vector<64x42x128xi1>, vector<64x42x128xf32>
    %add3A_214 = arith.constant 1 : i32
    %add3A_215 = vector.broadcast %add3A_214 : i32 to vector<64x42x128xi32>
    %add3A_216 = arith.addi %convert_element_type3A_161, %add3A_215 : vector<64x42x128xi32>
    %and3A_217 = arith.constant 2 : i32
    %and3A_218 = vector.broadcast %and3A_217 : i32 to vector<64x42x128xi32>
    %and3A_219 = arith.andi %add3A_216, %and3A_218 : vector<64x42x128xi32>
    %eq3A_220 = arith.constant 2 : i32
    %eq3A_221 = vector.broadcast %eq3A_220 : i32 to vector<64x42x128xi32>
    %eq3A_222 = arith.cmpi eq, %and3A_219, %eq3A_221 : vector<64x42x128xi32>
    %neg3A_223 = arith.constant 0.000000e+00 : f32
    %neg3A_224 = vector.broadcast %neg3A_223 : f32 to vector<64x42x128xf32>
    %neg3A_225 = arith.subf %neg3A_224, %select_n3A_213 : vector<64x42x128xf32>
    %select_n3A_226 = arith.select %eq3A_222, %neg3A_225, %select_n3A_213 : vector<64x42x128xi1>, vector<64x42x128xf32>
    %broadcast_in_dim3A_227 = arith.constant 1.000000e+00 : f32
    %broadcast_in_dim3A_228 = vector.broadcast %broadcast_in_dim3A_227 : f32 to vector<64x42x128xf32>
    %mul3A_229 = arith.mulf %broadcast_in_dim3A_13, %div3A_149 : vector<64x42x128xf32>
    %mul3A_230 = arith.mulf %select_n3A_226, %sub3A_153 : vector<64x42x128xf32>
    %mul3A_231 = arith.mulf %broadcast_in_dim3A_18, %mul3A_230 : vector<64x42x128xf32>
    %add3A_232 = arith.addf %mul3A_229, %mul3A_231 : vector<64x42x128xf32>
    %div3A_233 = arith.constant 3.000000e+00 : f32
    %div3A_234 = vector.broadcast %div3A_233 : f32 to vector<64x42x128xf32>
    %div3A_235 = arith.divf %div3A_234, %mul3A_70 : vector<64x42x128xf32>
    %mul3A_236 = arith.mulf %div3A_235, %sub3A_153 : vector<64x42x128xf32>
    %sub3A_237 = arith.subf %mul3A_236, %div3A_149 : vector<64x42x128xf32>
    %mul3A_238 = arith.constant 3.000000e+00 : f32
    %mul3A_239 = vector.broadcast %mul3A_238 : f32 to vector<64x42x128xf32>
    %mul3A_240 = arith.mulf %mul3A_239, %select_n3A_226 : vector<64x42x128xf32>
    %mul3A_241 = arith.mulf %mul3A_240, %select_n3A_226 : vector<64x42x128xf32>
    %mul3A_242 = arith.constant 1.000000e+00 : f32
    %mul3A_243 = vector.broadcast %mul3A_242 : f32 to vector<64x42x128xf32>
    %mul3A_244 = arith.mulf %mul3A_243, %broadcast_in_dim3A_228 : vector<64x42x128xf32>
    %sub3A_245 = arith.subf %mul3A_241, %mul3A_244 : vector<64x42x128xf32>
    %div3A_246 = arith.constant 2.000000e+00 : f32
    %div3A_247 = vector.broadcast %div3A_246 : f32 to vector<64x42x128xf32>
    %div3A_248 = arith.divf %sub3A_245, %div3A_247 : vector<64x42x128xf32>
    %mul3A_249 = arith.mulf %div3A_248, %sub3A_237 : vector<64x42x128xf32>
    %mul3A_250 = arith.mulf %broadcast_in_dim3A_23, %mul3A_249 : vector<64x42x128xf32>
    %add3A_251 = arith.addf %add3A_232, %mul3A_250 : vector<64x42x128xf32>
    %div3A_252 = arith.constant 5.000000e+00 : f32
    %div3A_253 = vector.broadcast %div3A_252 : f32 to vector<64x42x128xf32>
    %div3A_254 = arith.divf %div3A_253, %mul3A_70 : vector<64x42x128xf32>
    %mul3A_255 = arith.mulf %div3A_254, %sub3A_237 : vector<64x42x128xf32>
    %sub3A_256 = arith.subf %mul3A_255, %sub3A_153 : vector<64x42x128xf32>
    %mul3A_257 = arith.constant 5.000000e+00 : f32
    %mul3A_258 = vector.broadcast %mul3A_257 : f32 to vector<64x42x128xf32>
    %mul3A_259 = arith.mulf %mul3A_258, %select_n3A_226 : vector<64x42x128xf32>
    %mul3A_260 = arith.mulf %mul3A_259, %div3A_248 : vector<64x42x128xf32>
    %mul3A_261 = arith.constant 2.000000e+00 : f32
    %mul3A_262 = vector.broadcast %mul3A_261 : f32 to vector<64x42x128xf32>
    %mul3A_263 = arith.mulf %mul3A_262, %select_n3A_226 : vector<64x42x128xf32>
    %sub3A_264 = arith.subf %mul3A_260, %mul3A_263 : vector<64x42x128xf32>
    %div3A_265 = arith.constant 3.000000e+00 : f32
    %div3A_266 = vector.broadcast %div3A_265 : f32 to vector<64x42x128xf32>
    %div3A_267 = arith.divf %sub3A_264, %div3A_266 : vector<64x42x128xf32>
    %mul3A_268 = arith.mulf %div3A_267, %sub3A_256 : vector<64x42x128xf32>
    %mul3A_269 = arith.mulf %broadcast_in_dim3A_28, %mul3A_268 : vector<64x42x128xf32>
    %add3A_270 = arith.addf %add3A_251, %mul3A_269 : vector<64x42x128xf32>
    %div3A_271 = arith.constant 7.000000e+00 : f32
    %div3A_272 = vector.broadcast %div3A_271 : f32 to vector<64x42x128xf32>
    %div3A_273 = arith.divf %div3A_272, %mul3A_70 : vector<64x42x128xf32>
    %mul3A_274 = arith.mulf %div3A_273, %sub3A_256 : vector<64x42x128xf32>
    %sub3A_275 = arith.subf %mul3A_274, %sub3A_237 : vector<64x42x128xf32>
    %mul3A_276 = arith.constant 7.000000e+00 : f32
    %mul3A_277 = vector.broadcast %mul3A_276 : f32 to vector<64x42x128xf32>
    %mul3A_278 = arith.mulf %mul3A_277, %select_n3A_226 : vector<64x42x128xf32>
    %mul3A_279 = arith.mulf %mul3A_278, %div3A_267 : vector<64x42x128xf32>
    %mul3A_280 = arith.constant 3.000000e+00 : f32
    %mul3A_281 = vector.broadcast %mul3A_280 : f32 to vector<64x42x128xf32>
    %mul3A_282 = arith.mulf %mul3A_281, %div3A_248 : vector<64x42x128xf32>
    %sub3A_283 = arith.subf %mul3A_279, %mul3A_282 : vector<64x42x128xf32>
    %div3A_284 = arith.constant 4.000000e+00 : f32
    %div3A_285 = vector.broadcast %div3A_284 : f32 to vector<64x42x128xf32>
    %div3A_286 = arith.divf %sub3A_283, %div3A_285 : vector<64x42x128xf32>
    %mul3A_287 = arith.mulf %div3A_286, %sub3A_275 : vector<64x42x128xf32>
    %mul3A_288 = arith.mulf %broadcast_in_dim3A_33, %mul3A_287 : vector<64x42x128xf32>
    %add3A_289 = arith.addf %add3A_270, %mul3A_288 : vector<64x42x128xf32>
    %div3A_290 = arith.constant 9.000000e+00 : f32
    %div3A_291 = vector.broadcast %div3A_290 : f32 to vector<64x42x128xf32>
    %div3A_292 = arith.divf %div3A_291, %mul3A_70 : vector<64x42x128xf32>
    %mul3A_293 = arith.mulf %div3A_292, %sub3A_275 : vector<64x42x128xf32>
    %sub3A_294 = arith.subf %mul3A_293, %sub3A_256 : vector<64x42x128xf32>
    %mul3A_295 = arith.constant 9.000000e+00 : f32
    %mul3A_296 = vector.broadcast %mul3A_295 : f32 to vector<64x42x128xf32>
    %mul3A_297 = arith.mulf %mul3A_296, %select_n3A_226 : vector<64x42x128xf32>
    %mul3A_298 = arith.mulf %mul3A_297, %div3A_286 : vector<64x42x128xf32>
    %mul3A_299 = arith.constant 4.000000e+00 : f32
    %mul3A_300 = vector.broadcast %mul3A_299 : f32 to vector<64x42x128xf32>
    %mul3A_301 = arith.mulf %mul3A_300, %div3A_267 : vector<64x42x128xf32>
    %sub3A_302 = arith.subf %mul3A_298, %mul3A_301 : vector<64x42x128xf32>
    %div3A_303 = arith.constant 5.000000e+00 : f32
    %div3A_304 = vector.broadcast %div3A_303 : f32 to vector<64x42x128xf32>
    %div3A_305 = arith.divf %sub3A_302, %div3A_304 : vector<64x42x128xf32>
    %mul3A_306 = arith.mulf %div3A_305, %sub3A_294 : vector<64x42x128xf32>
    %mul3A_307 = arith.mulf %broadcast_in_dim3A_38, %mul3A_306 : vector<64x42x128xf32>
    %add3A_308 = arith.addf %add3A_289, %mul3A_307 : vector<64x42x128xf32>
    %div3A_309 = arith.constant 1.100000e+01 : f32
    %div3A_310 = vector.broadcast %div3A_309 : f32 to vector<64x42x128xf32>
    %div3A_311 = arith.divf %div3A_310, %mul3A_70 : vector<64x42x128xf32>
    %mul3A_312 = arith.mulf %div3A_311, %sub3A_294 : vector<64x42x128xf32>
    %sub3A_313 = arith.subf %mul3A_312, %sub3A_275 : vector<64x42x128xf32>
    %mul3A_314 = arith.constant 1.100000e+01 : f32
    %mul3A_315 = vector.broadcast %mul3A_314 : f32 to vector<64x42x128xf32>
    %mul3A_316 = arith.mulf %mul3A_315, %select_n3A_226 : vector<64x42x128xf32>
    %mul3A_317 = arith.mulf %mul3A_316, %div3A_305 : vector<64x42x128xf32>
    %mul3A_318 = arith.constant 5.000000e+00 : f32
    %mul3A_319 = vector.broadcast %mul3A_318 : f32 to vector<64x42x128xf32>
    %mul3A_320 = arith.mulf %mul3A_319, %div3A_286 : vector<64x42x128xf32>
    %sub3A_321 = arith.subf %mul3A_317, %mul3A_320 : vector<64x42x128xf32>
    %div3A_322 = arith.constant 6.000000e+00 : f32
    %div3A_323 = vector.broadcast %div3A_322 : f32 to vector<64x42x128xf32>
    %div3A_324 = arith.divf %sub3A_321, %div3A_323 : vector<64x42x128xf32>
    %mul3A_325 = arith.mulf %div3A_324, %sub3A_313 : vector<64x42x128xf32>
    %mul3A_326 = arith.mulf %broadcast_in_dim3A_43, %mul3A_325 : vector<64x42x128xf32>
    %add3A_327 = arith.addf %add3A_308, %mul3A_326 : vector<64x42x128xf32>
    %mul3A_328 = arith.mulf %select_n3A, %add3A_327 : vector<64x42x128xf32>
    %transpose3A = tpu.transpose %mul3A_328, [0, 2, 1] : vector<64x42x128xf32> -> vector<64x128x42xf32>
    %reshape3A = vector.shape_cast %transpose3A : vector<64x128x42xf32> to vector<8192x42xf32>
    %swap3A = arith.constant 0 : index
    %swap3A_329 = arith.constant 0 : index
    %swap3A_330 = vector.load %arg4[%swap3A, %swap3A_329] : memref<24576x42xf32, #tpu.memory_space<vmem>>, vector<8192x42xf32>
    tpu.vector_store %arg4[%swap3A, %swap3A_329], %reshape3A {strides = array<i32>} : memref<24576x42xf32, #tpu.memory_space<vmem>>, vector<8192x42xf32>,
    %slice3A_331 = vector.extract_strided_slice %get3A_1 {offsets = [64, 0], sizes = [64, 128], strides = [1, 1]} : vector<192x128xf32> to vector<64x128xf32>
    %broadcast_in_dim3A_332 = vector.shape_cast %slice3A_331 : vector<64x128xf32> to vector<64x1x128xf32>
    %broadcast_in_dim3A_333 = vector.broadcast %broadcast_in_dim3A_332 : vector<64x1x128xf32> to vector<64x42x128xf32>
    %mul3A_334 = arith.constant 2.000000e-01 : f32
    %mul3A_335 = vector.broadcast %mul3A_334 : f32 to vector<64x42x128xf32>
    %mul3A_336 = arith.mulf %broadcast_in_dim3A_333, %mul3A_335 : vector<64x42x128xf32>
    %slice3A_337 = vector.extract_strided_slice %get3A_4 {offsets = [64, 0], sizes = [64, 128], strides = [1, 1]} : vector<192x128xf32> to vector<64x128xf32>
    %broadcast_in_dim3A_338 = vector.shape_cast %slice3A_337 : vector<64x128xf32> to vector<64x1x128xf32>
    %broadcast_in_dim3A_339 = vector.broadcast %broadcast_in_dim3A_338 : vector<64x1x128xf32> to vector<64x42x128xf32>
    %div3A_340 = arith.constant 1.000000e+00 : f32
    %div3A_341 = vector.broadcast %div3A_340 : f32 to vector<64x42x128xf32>
    %div3A_342 = arith.divf %div3A_341, %mul3A_336 : vector<64x42x128xf32>
    %mul3A_343 = arith.mulf %mul3A_336, %mul3A_336 : vector<64x42x128xf32>
    %mul3A_344 = arith.mulf %mul3A_343, %mul3A_343 : vector<64x42x128xf32>
    %mul3A_345 = arith.mulf %mul3A_344, %mul3A_336 : vector<64x42x128xf32>
    %mul3A_346 = arith.constant -2.100000e+01 : f32
    %mul3A_347 = vector.broadcast %mul3A_346 : f32 to vector<64x42x128xf32>
    %mul3A_348 = arith.mulf %mul3A_336, %mul3A_347 : vector<64x42x128xf32>
    %add3A_349 = arith.constant 4.800000e+01 : f32
    %add3A_350 = vector.broadcast %add3A_349 : f32 to vector<64x42x128xf32>
    %add3A_351 = arith.addf %add3A_350, %mul3A_348 : vector<64x42x128xf32>
    %mul3A_352 = arith.mulf %mul3A_336, %add3A_351 : vector<64x42x128xf32>
    %add3A_353 = arith.constant -2.800000e+01 : f32
    %add3A_354 = vector.broadcast %add3A_353 : f32 to vector<64x42x128xf32>
    %add3A_355 = arith.addf %add3A_354, %mul3A_352 : vector<64x42x128xf32>
    %mul3A_356 = arith.mulf %mul3A_345, %add3A_355 : vector<64x42x128xf32>
    %add3A_357 = arith.addf %div3A_342, %mul3A_356 : vector<64x42x128xf32>
    %lt3A_358 = arith.constant 1.000000e+00 : f32
    %lt3A_359 = vector.broadcast %lt3A_358 : f32 to vector<64x42x128xf32>
    %lt3A_360 = arith.cmpf olt, %mul3A_336, %lt3A_359 : vector<64x42x128xf32>
    %jit3A_361 = arith.constant 0.000000e+00 : f32
    %broadcast_in_dim3A_362 = vector.broadcast %jit3A_361 : f32 to vector<64x42x128xf32>
    %select_n3A_363 = arith.select %lt3A_360, %add3A_357, %broadcast_in_dim3A_362 : vector<64x42x128xi1>, vector<64x42x128xf32>
    %mul3A_364 = arith.mulf %mul3A_336, %broadcast_in_dim3A_8 : vector<64x42x128xf32>
    %mul3A_365 = arith.constant 0.636619746 : f32
    %mul3A_366 = vector.broadcast %mul3A_365 : f32 to vector<64x42x128xf32>
    %mul3A_367 = arith.mulf %mul3A_364, %mul3A_366 : vector<64x42x128xf32>
    %add3A_368 = arith.constant 5.000000e-01 : f32
    %add3A_369 = vector.broadcast %add3A_368 : f32 to vector<64x42x128xf32>
    %add3A_370 = arith.addf %mul3A_367, %add3A_369 : vector<64x42x128xf32>
    %floor3A_371 = math.floor %add3A_370 : vector<64x42x128xf32>
    %convert_element_type3A_372 = arith.fptosi %floor3A_371 : vector<64x42x128xf32> to vector<64x42x128xi32>
    %mul3A_373 = arith.constant 1.5703125 : f32
    %mul3A_374 = vector.broadcast %mul3A_373 : f32 to vector<64x42x128xf32>
    %mul3A_375 = arith.mulf %floor3A_371, %mul3A_374 : vector<64x42x128xf32>
    %sub3A_376 = arith.subf %mul3A_364, %mul3A_375 : vector<64x42x128xf32>
    %mul3A_377 = arith.constant 4.83826792E-4 : f32
    %mul3A_378 = vector.broadcast %mul3A_377 : f32 to vector<64x42x128xf32>
    %mul3A_379 = arith.mulf %floor3A_371, %mul3A_378 : vector<64x42x128xf32>
    %sub3A_380 = arith.subf %sub3A_376, %mul3A_379 : vector<64x42x128xf32>
    %mul3A_381 = arith.constant 0.000000e+00 : f32
    %mul3A_382 = vector.broadcast %mul3A_381 : f32 to vector<64x42x128xf32>
    %mul3A_383 = arith.mulf %floor3A_371, %mul3A_382 : vector<64x42x128xf32>
    %sub3A_384 = arith.subf %sub3A_380, %mul3A_383 : vector<64x42x128xf32>
    %mul3A_385 = arith.mulf %sub3A_384, %sub3A_384 : vector<64x42x128xf32>
    %mul3A_386 = arith.mulf %mul3A_385, %sub3A_384 : vector<64x42x128xf32>
    %mul3A_387 = arith.constant -1.95152956E-4 : f32
    %mul3A_388 = vector.broadcast %mul3A_387 : f32 to vector<64x42x128xf32>
    %mul3A_389 = arith.mulf %mul3A_385, %mul3A_388 : vector<64x42x128xf32>
    %add3A_390 = arith.constant 0.00833216123 : f32
    %add3A_391 = vector.broadcast %add3A_390 : f32 to vector<64x42x128xf32>
    %add3A_392 = arith.addf %add3A_391, %mul3A_389 : vector<64x42x128xf32>
    %mul3A_393 = arith.mulf %mul3A_385, %add3A_392 : vector<64x42x128xf32>
    %add3A_394 = arith.constant -0.166666552 : f32
    %add3A_395 = vector.broadcast %add3A_394 : f32 to vector<64x42x128xf32>
    %add3A_396 = arith.addf %add3A_395, %mul3A_393 : vector<64x42x128xf32>
    %mul3A_397 = arith.mulf %mul3A_386, %add3A_396 : vector<64x42x128xf32>
    %add3A_398 = arith.addf %sub3A_384, %mul3A_397 : vector<64x42x128xf32>
    %mul3A_399 = arith.constant 5.000000e-01 : f32
    %mul3A_400 = vector.broadcast %mul3A_399 : f32 to vector<64x42x128xf32>
    %mul3A_401 = arith.mulf %mul3A_400, %mul3A_385 : vector<64x42x128xf32>
    %sub3A_402 = arith.constant 1.000000e+00 : f32
    %sub3A_403 = vector.broadcast %sub3A_402 : f32 to vector<64x42x128xf32>
    %sub3A_404 = arith.subf %sub3A_403, %mul3A_401 : vector<64x42x128xf32>
    %mul3A_405 = arith.mulf %mul3A_385, %mul3A_385 : vector<64x42x128xf32>
    %mul3A_406 = arith.constant 2.44331568E-5 : f32
    %mul3A_407 = vector.broadcast %mul3A_406 : f32 to vector<64x42x128xf32>
    %mul3A_408 = arith.mulf %mul3A_385, %mul3A_407 : vector<64x42x128xf32>
    %add3A_409 = arith.constant -0.00138873165 : f32
    %add3A_410 = vector.broadcast %add3A_409 : f32 to vector<64x42x128xf32>
    %add3A_411 = arith.addf %add3A_410, %mul3A_408 : vector<64x42x128xf32>
    %mul3A_412 = arith.mulf %mul3A_385, %add3A_411 : vector<64x42x128xf32>
    %add3A_413 = arith.constant 0.0416666456 : f32
    %add3A_414 = vector.broadcast %add3A_413 : f32 to vector<64x42x128xf32>
    %add3A_415 = arith.addf %add3A_414, %mul3A_412 : vector<64x42x128xf32>
    %mul3A_416 = arith.mulf %mul3A_405, %add3A_415 : vector<64x42x128xf32>
    %add3A_417 = arith.addf %sub3A_404, %mul3A_416 : vector<64x42x128xf32>
    %and3A_418 = arith.constant 1 : i32
    %and3A_419 = vector.broadcast %and3A_418 : i32 to vector<64x42x128xi32>
    %and3A_420 = arith.andi %convert_element_type3A_372, %and3A_419 : vector<64x42x128xi32>
    %eq3A_421 = arith.constant 1 : i32
    %eq3A_422 = vector.broadcast %eq3A_421 : i32 to vector<64x42x128xi32>
    %eq3A_423 = arith.cmpi eq, %and3A_420, %eq3A_422 : vector<64x42x128xi32>
    %select_n3A_424 = arith.select %eq3A_423, %add3A_417, %add3A_398 : vector<64x42x128xi1>, vector<64x42x128xf32>
    %select_n3A_425 = arith.select %eq3A_423, %add3A_398, %add3A_417 : vector<64x42x128xi1>, vector<64x42x128xf32>
    %and3A_426 = arith.constant 2 : i32
    %and3A_427 = vector.broadcast %and3A_426 : i32 to vector<64x42x128xi32>
    %and3A_428 = arith.andi %convert_element_type3A_372, %and3A_427 : vector<64x42x128xi32>
    %eq3A_429 = arith.constant 2 : i32
    %eq3A_430 = vector.broadcast %eq3A_429 : i32 to vector<64x42x128xi32>
    %eq3A_431 = arith.cmpi eq, %and3A_428, %eq3A_430 : vector<64x42x128xi32>
    %neg3A_432 = arith.constant 0.000000e+00 : f32
    %neg3A_433 = vector.broadcast %neg3A_432 : f32 to vector<64x42x128xf32>
    %neg3A_434 = arith.subf %neg3A_433, %select_n3A_424 : vector<64x42x128xf32>
    %select_n3A_435 = arith.select %eq3A_431, %neg3A_434, %select_n3A_424 : vector<64x42x128xi1>, vector<64x42x128xf32>
    %add3A_436 = arith.constant 1 : i32
    %add3A_437 = vector.broadcast %add3A_436 : i32 to vector<64x42x128xi32>
    %add3A_438 = arith.addi %convert_element_type3A_372, %add3A_437 : vector<64x42x128xi32>
    %and3A_439 = arith.constant 2 : i32
    %and3A_440 = vector.broadcast %and3A_439 : i32 to vector<64x42x128xi32>
    %and3A_441 = arith.andi %add3A_438, %and3A_440 : vector<64x42x128xi32>
    %eq3A_442 = arith.constant 2 : i32
    %eq3A_443 = vector.broadcast %eq3A_442 : i32 to vector<64x42x128xi32>
    %eq3A_444 = arith.cmpi eq, %and3A_441, %eq3A_443 : vector<64x42x128xi32>
    %neg3A_445 = arith.constant 0.000000e+00 : f32
    %neg3A_446 = vector.broadcast %neg3A_445 : f32 to vector<64x42x128xf32>
    %neg3A_447 = arith.subf %neg3A_446, %select_n3A_425 : vector<64x42x128xf32>
    %select_n3A_448 = arith.select %eq3A_444, %neg3A_447, %select_n3A_425 : vector<64x42x128xi1>, vector<64x42x128xf32>
    %div3A_449 = arith.divf %select_n3A_435, %mul3A_364 : vector<64x42x128xf32>
    %mul3A_450 = arith.mulf %mul3A_364, %mul3A_364 : vector<64x42x128xf32>
    %div3A_451 = arith.divf %select_n3A_435, %mul3A_450 : vector<64x42x128xf32>
    %div3A_452 = arith.divf %select_n3A_448, %mul3A_364 : vector<64x42x128xf32>
    %sub3A_453 = arith.subf %div3A_451, %div3A_452 : vector<64x42x128xf32>
    %mul3A_454 = arith.constant 0.636619746 : f32
    %mul3A_455 = vector.broadcast %mul3A_454 : f32 to vector<64x42x128xf32>
    %mul3A_456 = arith.mulf %broadcast_in_dim3A_339, %mul3A_455 : vector<64x42x128xf32>
    %add3A_457 = arith.constant 5.000000e-01 : f32
    %add3A_458 = vector.broadcast %add3A_457 : f32 to vector<64x42x128xf32>
    %add3A_459 = arith.addf %mul3A_456, %add3A_458 : vector<64x42x128xf32>
    %floor3A_460 = math.floor %add3A_459 : vector<64x42x128xf32>
    %convert_element_type3A_461 = arith.fptosi %floor3A_460 : vector<64x42x128xf32> to vector<64x42x128xi32>
    %mul3A_462 = arith.constant 1.5703125 : f32
    %mul3A_463 = vector.broadcast %mul3A_462 : f32 to vector<64x42x128xf32>
    %mul3A_464 = arith.mulf %floor3A_460, %mul3A_463 : vector<64x42x128xf32>
    %sub3A_465 = arith.subf %broadcast_in_dim3A_339, %mul3A_464 : vector<64x42x128xf32>
    %mul3A_466 = arith.constant 4.83826792E-4 : f32
    %mul3A_467 = vector.broadcast %mul3A_466 : f32 to vector<64x42x128xf32>
    %mul3A_468 = arith.mulf %floor3A_460, %mul3A_467 : vector<64x42x128xf32>
    %sub3A_469 = arith.subf %sub3A_465, %mul3A_468 : vector<64x42x128xf32>
    %mul3A_470 = arith.constant 0.000000e+00 : f32
    %mul3A_471 = vector.broadcast %mul3A_470 : f32 to vector<64x42x128xf32>
    %mul3A_472 = arith.mulf %floor3A_460, %mul3A_471 : vector<64x42x128xf32>
    %sub3A_473 = arith.subf %sub3A_469, %mul3A_472 : vector<64x42x128xf32>
    %mul3A_474 = arith.mulf %sub3A_473, %sub3A_473 : vector<64x42x128xf32>
    %mul3A_475 = arith.mulf %mul3A_474, %sub3A_473 : vector<64x42x128xf32>
    %mul3A_476 = arith.constant -1.95152956E-4 : f32
    %mul3A_477 = vector.broadcast %mul3A_476 : f32 to vector<64x42x128xf32>
    %mul3A_478 = arith.mulf %mul3A_474, %mul3A_477 : vector<64x42x128xf32>
    %add3A_479 = arith.constant 0.00833216123 : f32
    %add3A_480 = vector.broadcast %add3A_479 : f32 to vector<64x42x128xf32>
    %add3A_481 = arith.addf %add3A_480, %mul3A_478 : vector<64x42x128xf32>
    %mul3A_482 = arith.mulf %mul3A_474, %add3A_481 : vector<64x42x128xf32>
    %add3A_483 = arith.constant -0.166666552 : f32
    %add3A_484 = vector.broadcast %add3A_483 : f32 to vector<64x42x128xf32>
    %add3A_485 = arith.addf %add3A_484, %mul3A_482 : vector<64x42x128xf32>
    %mul3A_486 = arith.mulf %mul3A_475, %add3A_485 : vector<64x42x128xf32>
    %add3A_487 = arith.addf %sub3A_473, %mul3A_486 : vector<64x42x128xf32>
    %mul3A_488 = arith.constant 5.000000e-01 : f32
    %mul3A_489 = vector.broadcast %mul3A_488 : f32 to vector<64x42x128xf32>
    %mul3A_490 = arith.mulf %mul3A_489, %mul3A_474 : vector<64x42x128xf32>
    %sub3A_491 = arith.constant 1.000000e+00 : f32
    %sub3A_492 = vector.broadcast %sub3A_491 : f32 to vector<64x42x128xf32>
    %sub3A_493 = arith.subf %sub3A_492, %mul3A_490 : vector<64x42x128xf32>
    %mul3A_494 = arith.mulf %mul3A_474, %mul3A_474 : vector<64x42x128xf32>
    %mul3A_495 = arith.constant 2.44331568E-5 : f32
    %mul3A_496 = vector.broadcast %mul3A_495 : f32 to vector<64x42x128xf32>
    %mul3A_497 = arith.mulf %mul3A_474, %mul3A_496 : vector<64x42x128xf32>
    %add3A_498 = arith.constant -0.00138873165 : f32
    %add3A_499 = vector.broadcast %add3A_498 : f32 to vector<64x42x128xf32>
    %add3A_500 = arith.addf %add3A_499, %mul3A_497 : vector<64x42x128xf32>
    %mul3A_501 = arith.mulf %mul3A_474, %add3A_500 : vector<64x42x128xf32>
    %add3A_502 = arith.constant 0.0416666456 : f32
    %add3A_503 = vector.broadcast %add3A_502 : f32 to vector<64x42x128xf32>
    %add3A_504 = arith.addf %add3A_503, %mul3A_501 : vector<64x42x128xf32>
    %mul3A_505 = arith.mulf %mul3A_494, %add3A_504 : vector<64x42x128xf32>
    %add3A_506 = arith.addf %sub3A_493, %mul3A_505 : vector<64x42x128xf32>
    %and3A_507 = arith.constant 1 : i32
    %and3A_508 = vector.broadcast %and3A_507 : i32 to vector<64x42x128xi32>
    %and3A_509 = arith.andi %convert_element_type3A_461, %and3A_508 : vector<64x42x128xi32>
    %eq3A_510 = arith.constant 1 : i32
    %eq3A_511 = vector.broadcast %eq3A_510 : i32 to vector<64x42x128xi32>
    %eq3A_512 = arith.cmpi eq, %and3A_509, %eq3A_511 : vector<64x42x128xi32>
    %select_n3A_513 = arith.select %eq3A_512, %add3A_487, %add3A_506 : vector<64x42x128xi1>, vector<64x42x128xf32>
    %add3A_514 = arith.constant 1 : i32
    %add3A_515 = vector.broadcast %add3A_514 : i32 to vector<64x42x128xi32>
    %add3A_516 = arith.addi %convert_element_type3A_461, %add3A_515 : vector<64x42x128xi32>
    %and3A_517 = arith.constant 2 : i32
    %and3A_518 = vector.broadcast %and3A_517 : i32 to vector<64x42x128xi32>
    %and3A_519 = arith.andi %add3A_516, %and3A_518 : vector<64x42x128xi32>
    %eq3A_520 = arith.constant 2 : i32
    %eq3A_521 = vector.broadcast %eq3A_520 : i32 to vector<64x42x128xi32>
    %eq3A_522 = arith.cmpi eq, %and3A_519, %eq3A_521 : vector<64x42x128xi32>
    %neg3A_523 = arith.constant 0.000000e+00 : f32
    %neg3A_524 = vector.broadcast %neg3A_523 : f32 to vector<64x42x128xf32>
    %neg3A_525 = arith.subf %neg3A_524, %select_n3A_513 : vector<64x42x128xf32>
    %select_n3A_526 = arith.select %eq3A_522, %neg3A_525, %select_n3A_513 : vector<64x42x128xi1>, vector<64x42x128xf32>
    %broadcast_in_dim3A_527 = arith.constant 1.000000e+00 : f32
    %broadcast_in_dim3A_528 = vector.broadcast %broadcast_in_dim3A_527 : f32 to vector<64x42x128xf32>
    %mul3A_529 = arith.mulf %broadcast_in_dim3A_13, %div3A_449 : vector<64x42x128xf32>
    %mul3A_530 = arith.mulf %select_n3A_526, %sub3A_453 : vector<64x42x128xf32>
    %mul3A_531 = arith.mulf %broadcast_in_dim3A_18, %mul3A_530 : vector<64x42x128xf32>
    %add3A_532 = arith.addf %mul3A_529, %mul3A_531 : vector<64x42x128xf32>
    %div3A_533 = arith.constant 3.000000e+00 : f32
    %div3A_534 = vector.broadcast %div3A_533 : f32 to vector<64x42x128xf32>
    %div3A_535 = arith.divf %div3A_534, %mul3A_364 : vector<64x42x128xf32>
    %mul3A_536 = arith.mulf %div3A_535, %sub3A_453 : vector<64x42x128xf32>
    %sub3A_537 = arith.subf %mul3A_536, %div3A_449 : vector<64x42x128xf32>
    %mul3A_538 = arith.constant 3.000000e+00 : f32
    %mul3A_539 = vector.broadcast %mul3A_538 : f32 to vector<64x42x128xf32>
    %mul3A_540 = arith.mulf %mul3A_539, %select_n3A_526 : vector<64x42x128xf32>
    %mul3A_541 = arith.mulf %mul3A_540, %select_n3A_526 : vector<64x42x128xf32>
    %mul3A_542 = arith.constant 1.000000e+00 : f32
    %mul3A_543 = vector.broadcast %mul3A_542 : f32 to vector<64x42x128xf32>
    %mul3A_544 = arith.mulf %mul3A_543, %broadcast_in_dim3A_528 : vector<64x42x128xf32>
    %sub3A_545 = arith.subf %mul3A_541, %mul3A_544 : vector<64x42x128xf32>
    %div3A_546 = arith.constant 2.000000e+00 : f32
    %div3A_547 = vector.broadcast %div3A_546 : f32 to vector<64x42x128xf32>
    %div3A_548 = arith.divf %sub3A_545, %div3A_547 : vector<64x42x128xf32>
    %mul3A_549 = arith.mulf %div3A_548, %sub3A_537 : vector<64x42x128xf32>
    %mul3A_550 = arith.mulf %broadcast_in_dim3A_23, %mul3A_549 : vector<64x42x128xf32>
    %add3A_551 = arith.addf %add3A_532, %mul3A_550 : vector<64x42x128xf32>
    %div3A_552 = arith.constant 5.000000e+00 : f32
    %div3A_553 = vector.broadcast %div3A_552 : f32 to vector<64x42x128xf32>
    %div3A_554 = arith.divf %div3A_553, %mul3A_364 : vector<64x42x128xf32>
    %mul3A_555 = arith.mulf %div3A_554, %sub3A_537 : vector<64x42x128xf32>
    %sub3A_556 = arith.subf %mul3A_555, %sub3A_453 : vector<64x42x128xf32>
    %mul3A_557 = arith.constant 5.000000e+00 : f32
    %mul3A_558 = vector.broadcast %mul3A_557 : f32 to vector<64x42x128xf32>
    %mul3A_559 = arith.mulf %mul3A_558, %select_n3A_526 : vector<64x42x128xf32>
    %mul3A_560 = arith.mulf %mul3A_559, %div3A_548 : vector<64x42x128xf32>
    %mul3A_561 = arith.constant 2.000000e+00 : f32
    %mul3A_562 = vector.broadcast %mul3A_561 : f32 to vector<64x42x128xf32>
    %mul3A_563 = arith.mulf %mul3A_562, %select_n3A_526 : vector<64x42x128xf32>
    %sub3A_564 = arith.subf %mul3A_560, %mul3A_563 : vector<64x42x128xf32>
    %div3A_565 = arith.constant 3.000000e+00 : f32
    %div3A_566 = vector.broadcast %div3A_565 : f32 to vector<64x42x128xf32>
    %div3A_567 = arith.divf %sub3A_564, %div3A_566 : vector<64x42x128xf32>
    %mul3A_568 = arith.mulf %div3A_567, %sub3A_556 : vector<64x42x128xf32>
    %mul3A_569 = arith.mulf %broadcast_in_dim3A_28, %mul3A_568 : vector<64x42x128xf32>
    %add3A_570 = arith.addf %add3A_551, %mul3A_569 : vector<64x42x128xf32>
    %div3A_571 = arith.constant 7.000000e+00 : f32
    %div3A_572 = vector.broadcast %div3A_571 : f32 to vector<64x42x128xf32>
    %div3A_573 = arith.divf %div3A_572, %mul3A_364 : vector<64x42x128xf32>
    %mul3A_574 = arith.mulf %div3A_573, %sub3A_556 : vector<64x42x128xf32>
    %sub3A_575 = arith.subf %mul3A_574, %sub3A_537 : vector<64x42x128xf32>
    %mul3A_576 = arith.constant 7.000000e+00 : f32
    %mul3A_577 = vector.broadcast %mul3A_576 : f32 to vector<64x42x128xf32>
    %mul3A_578 = arith.mulf %mul3A_577, %select_n3A_526 : vector<64x42x128xf32>
    %mul3A_579 = arith.mulf %mul3A_578, %div3A_567 : vector<64x42x128xf32>
    %mul3A_580 = arith.constant 3.000000e+00 : f32
    %mul3A_581 = vector.broadcast %mul3A_580 : f32 to vector<64x42x128xf32>
    %mul3A_582 = arith.mulf %mul3A_581, %div3A_548 : vector<64x42x128xf32>
    %sub3A_583 = arith.subf %mul3A_579, %mul3A_582 : vector<64x42x128xf32>
    %div3A_584 = arith.constant 4.000000e+00 : f32
    %div3A_585 = vector.broadcast %div3A_584 : f32 to vector<64x42x128xf32>
    %div3A_586 = arith.divf %sub3A_583, %div3A_585 : vector<64x42x128xf32>
    %mul3A_587 = arith.mulf %div3A_586, %sub3A_575 : vector<64x42x128xf32>
    %mul3A_588 = arith.mulf %broadcast_in_dim3A_33, %mul3A_587 : vector<64x42x128xf32>
    %add3A_589 = arith.addf %add3A_570, %mul3A_588 : vector<64x42x128xf32>
    %div3A_590 = arith.constant 9.000000e+00 : f32
    %div3A_591 = vector.broadcast %div3A_590 : f32 to vector<64x42x128xf32>
    %div3A_592 = arith.divf %div3A_591, %mul3A_364 : vector<64x42x128xf32>
    %mul3A_593 = arith.mulf %div3A_592, %sub3A_575 : vector<64x42x128xf32>
    %sub3A_594 = arith.subf %mul3A_593, %sub3A_556 : vector<64x42x128xf32>
    %mul3A_595 = arith.constant 9.000000e+00 : f32
    %mul3A_596 = vector.broadcast %mul3A_595 : f32 to vector<64x42x128xf32>
    %mul3A_597 = arith.mulf %mul3A_596, %select_n3A_526 : vector<64x42x128xf32>
    %mul3A_598 = arith.mulf %mul3A_597, %div3A_586 : vector<64x42x128xf32>
    %mul3A_599 = arith.constant 4.000000e+00 : f32
    %mul3A_600 = vector.broadcast %mul3A_599 : f32 to vector<64x42x128xf32>
    %mul3A_601 = arith.mulf %mul3A_600, %div3A_567 : vector<64x42x128xf32>
    %sub3A_602 = arith.subf %mul3A_598, %mul3A_601 : vector<64x42x128xf32>
    %div3A_603 = arith.constant 5.000000e+00 : f32
    %div3A_604 = vector.broadcast %div3A_603 : f32 to vector<64x42x128xf32>
    %div3A_605 = arith.divf %sub3A_602, %div3A_604 : vector<64x42x128xf32>
    %mul3A_606 = arith.mulf %div3A_605, %sub3A_594 : vector<64x42x128xf32>
    %mul3A_607 = arith.mulf %broadcast_in_dim3A_38, %mul3A_606 : vector<64x42x128xf32>
    %add3A_608 = arith.addf %add3A_589, %mul3A_607 : vector<64x42x128xf32>
    %div3A_609 = arith.constant 1.100000e+01 : f32
    %div3A_610 = vector.broadcast %div3A_609 : f32 to vector<64x42x128xf32>
    %div3A_611 = arith.divf %div3A_610, %mul3A_364 : vector<64x42x128xf32>
    %mul3A_612 = arith.mulf %div3A_611, %sub3A_594 : vector<64x42x128xf32>
    %sub3A_613 = arith.subf %mul3A_612, %sub3A_575 : vector<64x42x128xf32>
    %mul3A_614 = arith.constant 1.100000e+01 : f32
    %mul3A_615 = vector.broadcast %mul3A_614 : f32 to vector<64x42x128xf32>
    %mul3A_616 = arith.mulf %mul3A_615, %select_n3A_526 : vector<64x42x128xf32>
    %mul3A_617 = arith.mulf %mul3A_616, %div3A_605 : vector<64x42x128xf32>
    %mul3A_618 = arith.constant 5.000000e+00 : f32
    %mul3A_619 = vector.broadcast %mul3A_618 : f32 to vector<64x42x128xf32>
    %mul3A_620 = arith.mulf %mul3A_619, %div3A_586 : vector<64x42x128xf32>
    %sub3A_621 = arith.subf %mul3A_617, %mul3A_620 : vector<64x42x128xf32>
    %div3A_622 = arith.constant 6.000000e+00 : f32
    %div3A_623 = vector.broadcast %div3A_622 : f32 to vector<64x42x128xf32>
    %div3A_624 = arith.divf %sub3A_621, %div3A_623 : vector<64x42x128xf32>
    %mul3A_625 = arith.mulf %div3A_624, %sub3A_613 : vector<64x42x128xf32>
    %mul3A_626 = arith.mulf %broadcast_in_dim3A_43, %mul3A_625 : vector<64x42x128xf32>
    %add3A_627 = arith.addf %add3A_608, %mul3A_626 : vector<64x42x128xf32>
    %mul3A_628 = arith.mulf %select_n3A_363, %add3A_627 : vector<64x42x128xf32>
    %transpose3A_629 = tpu.transpose %mul3A_628, [0, 2, 1] : vector<64x42x128xf32> -> vector<64x128x42xf32>
    %reshape3A_630 = vector.shape_cast %transpose3A_629 : vector<64x128x42xf32> to vector<8192x42xf32>
    %swap3A_631 = arith.constant 8192 : index
    %swap3A_632 = arith.constant 0 : index
    %swap3A_633 = vector.load %arg4[%swap3A_631, %swap3A_632] : memref<24576x42xf32, #tpu.memory_space<vmem>>, vector<8192x42xf32>
    tpu.vector_store %arg4[%swap3A_631, %swap3A_632], %reshape3A_630 {strides = array<i32>} : memref<24576x42xf32, #tpu.memory_space<vmem>>, vector<8192x42xf32>,
    %slice3A_634 = vector.extract_strided_slice %get3A_1 {offsets = [128, 0], sizes = [64, 128], strides = [1, 1]} : vector<192x128xf32> to vector<64x128xf32>
    %broadcast_in_dim3A_635 = vector.shape_cast %slice3A_634 : vector<64x128xf32> to vector<64x1x128xf32>
    %broadcast_in_dim3A_636 = vector.broadcast %broadcast_in_dim3A_635 : vector<64x1x128xf32> to vector<64x42x128xf32>
    %mul3A_637 = arith.constant 2.000000e-01 : f32
    %mul3A_638 = vector.broadcast %mul3A_637 : f32 to vector<64x42x128xf32>
    %mul3A_639 = arith.mulf %broadcast_in_dim3A_636, %mul3A_638 : vector<64x42x128xf32>
    %slice3A_640 = vector.extract_strided_slice %get3A_4 {offsets = [128, 0], sizes = [64, 128], strides = [1, 1]} : vector<192x128xf32> to vector<64x128xf32>
    %broadcast_in_dim3A_641 = vector.shape_cast %slice3A_640 : vector<64x128xf32> to vector<64x1x128xf32>
    %broadcast_in_dim3A_642 = vector.broadcast %broadcast_in_dim3A_641 : vector<64x1x128xf32> to vector<64x42x128xf32>
    %div3A_643 = arith.constant 1.000000e+00 : f32
    %div3A_644 = vector.broadcast %div3A_643 : f32 to vector<64x42x128xf32>
    %div3A_645 = arith.divf %div3A_644, %mul3A_639 : vector<64x42x128xf32>
    %mul3A_646 = arith.mulf %mul3A_639, %mul3A_639 : vector<64x42x128xf32>
    %mul3A_647 = arith.mulf %mul3A_646, %mul3A_646 : vector<64x42x128xf32>
    %mul3A_648 = arith.mulf %mul3A_647, %mul3A_639 : vector<64x42x128xf32>
    %mul3A_649 = arith.constant -2.100000e+01 : f32
    %mul3A_650 = vector.broadcast %mul3A_649 : f32 to vector<64x42x128xf32>
    %mul3A_651 = arith.mulf %mul3A_639, %mul3A_650 : vector<64x42x128xf32>
    %add3A_652 = arith.constant 4.800000e+01 : f32
    %add3A_653 = vector.broadcast %add3A_652 : f32 to vector<64x42x128xf32>
    %add3A_654 = arith.addf %add3A_653, %mul3A_651 : vector<64x42x128xf32>
    %mul3A_655 = arith.mulf %mul3A_639, %add3A_654 : vector<64x42x128xf32>
    %add3A_656 = arith.constant -2.800000e+01 : f32
    %add3A_657 = vector.broadcast %add3A_656 : f32 to vector<64x42x128xf32>
    %add3A_658 = arith.addf %add3A_657, %mul3A_655 : vector<64x42x128xf32>
    %mul3A_659 = arith.mulf %mul3A_648, %add3A_658 : vector<64x42x128xf32>
    %add3A_660 = arith.addf %div3A_645, %mul3A_659 : vector<64x42x128xf32>
    %lt3A_661 = arith.constant 1.000000e+00 : f32
    %lt3A_662 = vector.broadcast %lt3A_661 : f32 to vector<64x42x128xf32>
    %lt3A_663 = arith.cmpf olt, %mul3A_639, %lt3A_662 : vector<64x42x128xf32>
    %jit3A_664 = arith.constant 0.000000e+00 : f32
    %broadcast_in_dim3A_665 = vector.broadcast %jit3A_664 : f32 to vector<64x42x128xf32>
    %select_n3A_666 = arith.select %lt3A_663, %add3A_660, %broadcast_in_dim3A_665 : vector<64x42x128xi1>, vector<64x42x128xf32>
    %mul3A_667 = arith.mulf %mul3A_639, %broadcast_in_dim3A_8 : vector<64x42x128xf32>
    %mul3A_668 = arith.constant 0.636619746 : f32
    %mul3A_669 = vector.broadcast %mul3A_668 : f32 to vector<64x42x128xf32>
    %mul3A_670 = arith.mulf %mul3A_667, %mul3A_669 : vector<64x42x128xf32>
    %add3A_671 = arith.constant 5.000000e-01 : f32
    %add3A_672 = vector.broadcast %add3A_671 : f32 to vector<64x42x128xf32>
    %add3A_673 = arith.addf %mul3A_670, %add3A_672 : vector<64x42x128xf32>
    %floor3A_674 = math.floor %add3A_673 : vector<64x42x128xf32>
    %convert_element_type3A_675 = arith.fptosi %floor3A_674 : vector<64x42x128xf32> to vector<64x42x128xi32>
    %mul3A_676 = arith.constant 1.5703125 : f32
    %mul3A_677 = vector.broadcast %mul3A_676 : f32 to vector<64x42x128xf32>
    %mul3A_678 = arith.mulf %floor3A_674, %mul3A_677 : vector<64x42x128xf32>
    %sub3A_679 = arith.subf %mul3A_667, %mul3A_678 : vector<64x42x128xf32>
    %mul3A_680 = arith.constant 4.83826792E-4 : f32
    %mul3A_681 = vector.broadcast %mul3A_680 : f32 to vector<64x42x128xf32>
    %mul3A_682 = arith.mulf %floor3A_674, %mul3A_681 : vector<64x42x128xf32>
    %sub3A_683 = arith.subf %sub3A_679, %mul3A_682 : vector<64x42x128xf32>
    %mul3A_684 = arith.constant 0.000000e+00 : f32
    %mul3A_685 = vector.broadcast %mul3A_684 : f32 to vector<64x42x128xf32>
    %mul3A_686 = arith.mulf %floor3A_674, %mul3A_685 : vector<64x42x128xf32>
    %sub3A_687 = arith.subf %sub3A_683, %mul3A_686 : vector<64x42x128xf32>
    %mul3A_688 = arith.mulf %sub3A_687, %sub3A_687 : vector<64x42x128xf32>
    %mul3A_689 = arith.mulf %mul3A_688, %sub3A_687 : vector<64x42x128xf32>
    %mul3A_690 = arith.constant -1.95152956E-4 : f32
    %mul3A_691 = vector.broadcast %mul3A_690 : f32 to vector<64x42x128xf32>
    %mul3A_692 = arith.mulf %mul3A_688, %mul3A_691 : vector<64x42x128xf32>
    %add3A_693 = arith.constant 0.00833216123 : f32
    %add3A_694 = vector.broadcast %add3A_693 : f32 to vector<64x42x128xf32>
    %add3A_695 = arith.addf %add3A_694, %mul3A_692 : vector<64x42x128xf32>
    %mul3A_696 = arith.mulf %mul3A_688, %add3A_695 : vector<64x42x128xf32>
    %add3A_697 = arith.constant -0.166666552 : f32
    %add3A_698 = vector.broadcast %add3A_697 : f32 to vector<64x42x128xf32>
    %add3A_699 = arith.addf %add3A_698, %mul3A_696 : vector<64x42x128xf32>
    %mul3A_700 = arith.mulf %mul3A_689, %add3A_699 : vector<64x42x128xf32>
    %add3A_701 = arith.addf %sub3A_687, %mul3A_700 : vector<64x42x128xf32>
    %mul3A_702 = arith.constant 5.000000e-01 : f32
    %mul3A_703 = vector.broadcast %mul3A_702 : f32 to vector<64x42x128xf32>
    %mul3A_704 = arith.mulf %mul3A_703, %mul3A_688 : vector<64x42x128xf32>
    %sub3A_705 = arith.constant 1.000000e+00 : f32
    %sub3A_706 = vector.broadcast %sub3A_705 : f32 to vector<64x42x128xf32>
    %sub3A_707 = arith.subf %sub3A_706, %mul3A_704 : vector<64x42x128xf32>
    %mul3A_708 = arith.mulf %mul3A_688, %mul3A_688 : vector<64x42x128xf32>
    %mul3A_709 = arith.constant 2.44331568E-5 : f32
    %mul3A_710 = vector.broadcast %mul3A_709 : f32 to vector<64x42x128xf32>
    %mul3A_711 = arith.mulf %mul3A_688, %mul3A_710 : vector<64x42x128xf32>
    %add3A_712 = arith.constant -0.00138873165 : f32
    %add3A_713 = vector.broadcast %add3A_712 : f32 to vector<64x42x128xf32>
    %add3A_714 = arith.addf %add3A_713, %mul3A_711 : vector<64x42x128xf32>
    %mul3A_715 = arith.mulf %mul3A_688, %add3A_714 : vector<64x42x128xf32>
    %add3A_716 = arith.constant 0.0416666456 : f32
    %add3A_717 = vector.broadcast %add3A_716 : f32 to vector<64x42x128xf32>
    %add3A_718 = arith.addf %add3A_717, %mul3A_715 : vector<64x42x128xf32>
    %mul3A_719 = arith.mulf %mul3A_708, %add3A_718 : vector<64x42x128xf32>
    %add3A_720 = arith.addf %sub3A_707, %mul3A_719 : vector<64x42x128xf32>
    %and3A_721 = arith.constant 1 : i32
    %and3A_722 = vector.broadcast %and3A_721 : i32 to vector<64x42x128xi32>
    %and3A_723 = arith.andi %convert_element_type3A_675, %and3A_722 : vector<64x42x128xi32>
    %eq3A_724 = arith.constant 1 : i32
    %eq3A_725 = vector.broadcast %eq3A_724 : i32 to vector<64x42x128xi32>
    %eq3A_726 = arith.cmpi eq, %and3A_723, %eq3A_725 : vector<64x42x128xi32>
    %select_n3A_727 = arith.select %eq3A_726, %add3A_720, %add3A_701 : vector<64x42x128xi1>, vector<64x42x128xf32>
    %select_n3A_728 = arith.select %eq3A_726, %add3A_701, %add3A_720 : vector<64x42x128xi1>, vector<64x42x128xf32>
    %and3A_729 = arith.constant 2 : i32
    %and3A_730 = vector.broadcast %and3A_729 : i32 to vector<64x42x128xi32>
    %and3A_731 = arith.andi %convert_element_type3A_675, %and3A_730 : vector<64x42x128xi32>
    %eq3A_732 = arith.constant 2 : i32
    %eq3A_733 = vector.broadcast %eq3A_732 : i32 to vector<64x42x128xi32>
    %eq3A_734 = arith.cmpi eq, %and3A_731, %eq3A_733 : vector<64x42x128xi32>
    %neg3A_735 = arith.constant 0.000000e+00 : f32
    %neg3A_736 = vector.broadcast %neg3A_735 : f32 to vector<64x42x128xf32>
    %neg3A_737 = arith.subf %neg3A_736, %select_n3A_727 : vector<64x42x128xf32>
    %select_n3A_738 = arith.select %eq3A_734, %neg3A_737, %select_n3A_727 : vector<64x42x128xi1>, vector<64x42x128xf32>
    %add3A_739 = arith.constant 1 : i32
    %add3A_740 = vector.broadcast %add3A_739 : i32 to vector<64x42x128xi32>
    %add3A_741 = arith.addi %convert_element_type3A_675, %add3A_740 : vector<64x42x128xi32>
    %and3A_742 = arith.constant 2 : i32
    %and3A_743 = vector.broadcast %and3A_742 : i32 to vector<64x42x128xi32>
    %and3A_744 = arith.andi %add3A_741, %and3A_743 : vector<64x42x128xi32>
    %eq3A_745 = arith.constant 2 : i32
    %eq3A_746 = vector.broadcast %eq3A_745 : i32 to vector<64x42x128xi32>
    %eq3A_747 = arith.cmpi eq, %and3A_744, %eq3A_746 : vector<64x42x128xi32>
    %neg3A_748 = arith.constant 0.000000e+00 : f32
    %neg3A_749 = vector.broadcast %neg3A_748 : f32 to vector<64x42x128xf32>
    %neg3A_750 = arith.subf %neg3A_749, %select_n3A_728 : vector<64x42x128xf32>
    %select_n3A_751 = arith.select %eq3A_747, %neg3A_750, %select_n3A_728 : vector<64x42x128xi1>, vector<64x42x128xf32>
    %div3A_752 = arith.divf %select_n3A_738, %mul3A_667 : vector<64x42x128xf32>
    %mul3A_753 = arith.mulf %mul3A_667, %mul3A_667 : vector<64x42x128xf32>
    %div3A_754 = arith.divf %select_n3A_738, %mul3A_753 : vector<64x42x128xf32>
    %div3A_755 = arith.divf %select_n3A_751, %mul3A_667 : vector<64x42x128xf32>
    %sub3A_756 = arith.subf %div3A_754, %div3A_755 : vector<64x42x128xf32>
    %mul3A_757 = arith.constant 0.636619746 : f32
    %mul3A_758 = vector.broadcast %mul3A_757 : f32 to vector<64x42x128xf32>
    %mul3A_759 = arith.mulf %broadcast_in_dim3A_642, %mul3A_758 : vector<64x42x128xf32>
    %add3A_760 = arith.constant 5.000000e-01 : f32
    %add3A_761 = vector.broadcast %add3A_760 : f32 to vector<64x42x128xf32>
    %add3A_762 = arith.addf %mul3A_759, %add3A_761 : vector<64x42x128xf32>
    %floor3A_763 = math.floor %add3A_762 : vector<64x42x128xf32>
    %convert_element_type3A_764 = arith.fptosi %floor3A_763 : vector<64x42x128xf32> to vector<64x42x128xi32>
    %mul3A_765 = arith.constant 1.5703125 : f32
    %mul3A_766 = vector.broadcast %mul3A_765 : f32 to vector<64x42x128xf32>
    %mul3A_767 = arith.mulf %floor3A_763, %mul3A_766 : vector<64x42x128xf32>
    %sub3A_768 = arith.subf %broadcast_in_dim3A_642, %mul3A_767 : vector<64x42x128xf32>
    %mul3A_769 = arith.constant 4.83826792E-4 : f32
    %mul3A_770 = vector.broadcast %mul3A_769 : f32 to vector<64x42x128xf32>
    %mul3A_771 = arith.mulf %floor3A_763, %mul3A_770 : vector<64x42x128xf32>
    %sub3A_772 = arith.subf %sub3A_768, %mul3A_771 : vector<64x42x128xf32>
    %mul3A_773 = arith.constant 0.000000e+00 : f32
    %mul3A_774 = vector.broadcast %mul3A_773 : f32 to vector<64x42x128xf32>
    %mul3A_775 = arith.mulf %floor3A_763, %mul3A_774 : vector<64x42x128xf32>
    %sub3A_776 = arith.subf %sub3A_772, %mul3A_775 : vector<64x42x128xf32>
    %mul3A_777 = arith.mulf %sub3A_776, %sub3A_776 : vector<64x42x128xf32>
    %mul3A_778 = arith.mulf %mul3A_777, %sub3A_776 : vector<64x42x128xf32>
    %mul3A_779 = arith.constant -1.95152956E-4 : f32
    %mul3A_780 = vector.broadcast %mul3A_779 : f32 to vector<64x42x128xf32>
    %mul3A_781 = arith.mulf %mul3A_777, %mul3A_780 : vector<64x42x128xf32>
    %add3A_782 = arith.constant 0.00833216123 : f32
    %add3A_783 = vector.broadcast %add3A_782 : f32 to vector<64x42x128xf32>
    %add3A_784 = arith.addf %add3A_783, %mul3A_781 : vector<64x42x128xf32>
    %mul3A_785 = arith.mulf %mul3A_777, %add3A_784 : vector<64x42x128xf32>
    %add3A_786 = arith.constant -0.166666552 : f32
    %add3A_787 = vector.broadcast %add3A_786 : f32 to vector<64x42x128xf32>
    %add3A_788 = arith.addf %add3A_787, %mul3A_785 : vector<64x42x128xf32>
    %mul3A_789 = arith.mulf %mul3A_778, %add3A_788 : vector<64x42x128xf32>
    %add3A_790 = arith.addf %sub3A_776, %mul3A_789 : vector<64x42x128xf32>
    %mul3A_791 = arith.constant 5.000000e-01 : f32
    %mul3A_792 = vector.broadcast %mul3A_791 : f32 to vector<64x42x128xf32>
    %mul3A_793 = arith.mulf %mul3A_792, %mul3A_777 : vector<64x42x128xf32>
    %sub3A_794 = arith.constant 1.000000e+00 : f32
    %sub3A_795 = vector.broadcast %sub3A_794 : f32 to vector<64x42x128xf32>
    %sub3A_796 = arith.subf %sub3A_795, %mul3A_793 : vector<64x42x128xf32>
    %mul3A_797 = arith.mulf %mul3A_777, %mul3A_777 : vector<64x42x128xf32>
    %mul3A_798 = arith.constant 2.44331568E-5 : f32
    %mul3A_799 = vector.broadcast %mul3A_798 : f32 to vector<64x42x128xf32>
    %mul3A_800 = arith.mulf %mul3A_777, %mul3A_799 : vector<64x42x128xf32>
    %add3A_801 = arith.constant -0.00138873165 : f32
    %add3A_802 = vector.broadcast %add3A_801 : f32 to vector<64x42x128xf32>
    %add3A_803 = arith.addf %add3A_802, %mul3A_800 : vector<64x42x128xf32>
    %mul3A_804 = arith.mulf %mul3A_777, %add3A_803 : vector<64x42x128xf32>
    %add3A_805 = arith.constant 0.0416666456 : f32
    %add3A_806 = vector.broadcast %add3A_805 : f32 to vector<64x42x128xf32>
    %add3A_807 = arith.addf %add3A_806, %mul3A_804 : vector<64x42x128xf32>
    %mul3A_808 = arith.mulf %mul3A_797, %add3A_807 : vector<64x42x128xf32>
    %add3A_809 = arith.addf %sub3A_796, %mul3A_808 : vector<64x42x128xf32>
    %and3A_810 = arith.constant 1 : i32
    %and3A_811 = vector.broadcast %and3A_810 : i32 to vector<64x42x128xi32>
    %and3A_812 = arith.andi %convert_element_type3A_764, %and3A_811 : vector<64x42x128xi32>
    %eq3A_813 = arith.constant 1 : i32
    %eq3A_814 = vector.broadcast %eq3A_813 : i32 to vector<64x42x128xi32>
    %eq3A_815 = arith.cmpi eq, %and3A_812, %eq3A_814 : vector<64x42x128xi32>
    %select_n3A_816 = arith.select %eq3A_815, %add3A_790, %add3A_809 : vector<64x42x128xi1>, vector<64x42x128xf32>
    %add3A_817 = arith.constant 1 : i32
    %add3A_818 = vector.broadcast %add3A_817 : i32 to vector<64x42x128xi32>
    %add3A_819 = arith.addi %convert_element_type3A_764, %add3A_818 : vector<64x42x128xi32>
    %and3A_820 = arith.constant 2 : i32
    %and3A_821 = vector.broadcast %and3A_820 : i32 to vector<64x42x128xi32>
    %and3A_822 = arith.andi %add3A_819, %and3A_821 : vector<64x42x128xi32>
    %eq3A_823 = arith.constant 2 : i32
    %eq3A_824 = vector.broadcast %eq3A_823 : i32 to vector<64x42x128xi32>
    %eq3A_825 = arith.cmpi eq, %and3A_822, %eq3A_824 : vector<64x42x128xi32>
    %neg3A_826 = arith.constant 0.000000e+00 : f32
    %neg3A_827 = vector.broadcast %neg3A_826 : f32 to vector<64x42x128xf32>
    %neg3A_828 = arith.subf %neg3A_827, %select_n3A_816 : vector<64x42x128xf32>
    %select_n3A_829 = arith.select %eq3A_825, %neg3A_828, %select_n3A_816 : vector<64x42x128xi1>, vector<64x42x128xf32>
    %broadcast_in_dim3A_830 = arith.constant 1.000000e+00 : f32
    %broadcast_in_dim3A_831 = vector.broadcast %broadcast_in_dim3A_830 : f32 to vector<64x42x128xf32>
    %mul3A_832 = arith.mulf %broadcast_in_dim3A_13, %div3A_752 : vector<64x42x128xf32>
    %mul3A_833 = arith.mulf %select_n3A_829, %sub3A_756 : vector<64x42x128xf32>
    %mul3A_834 = arith.mulf %broadcast_in_dim3A_18, %mul3A_833 : vector<64x42x128xf32>
    %add3A_835 = arith.addf %mul3A_832, %mul3A_834 : vector<64x42x128xf32>
    %div3A_836 = arith.constant 3.000000e+00 : f32
    %div3A_837 = vector.broadcast %div3A_836 : f32 to vector<64x42x128xf32>
    %div3A_838 = arith.divf %div3A_837, %mul3A_667 : vector<64x42x128xf32>
    %mul3A_839 = arith.mulf %div3A_838, %sub3A_756 : vector<64x42x128xf32>
    %sub3A_840 = arith.subf %mul3A_839, %div3A_752 : vector<64x42x128xf32>
    %mul3A_841 = arith.constant 3.000000e+00 : f32
    %mul3A_842 = vector.broadcast %mul3A_841 : f32 to vector<64x42x128xf32>
    %mul3A_843 = arith.mulf %mul3A_842, %select_n3A_829 : vector<64x42x128xf32>
    %mul3A_844 = arith.mulf %mul3A_843, %select_n3A_829 : vector<64x42x128xf32>
    %mul3A_845 = arith.constant 1.000000e+00 : f32
    %mul3A_846 = vector.broadcast %mul3A_845 : f32 to vector<64x42x128xf32>
    %mul3A_847 = arith.mulf %mul3A_846, %broadcast_in_dim3A_831 : vector<64x42x128xf32>
    %sub3A_848 = arith.subf %mul3A_844, %mul3A_847 : vector<64x42x128xf32>
    %div3A_849 = arith.constant 2.000000e+00 : f32
    %div3A_850 = vector.broadcast %div3A_849 : f32 to vector<64x42x128xf32>
    %div3A_851 = arith.divf %sub3A_848, %div3A_850 : vector<64x42x128xf32>
    %mul3A_852 = arith.mulf %div3A_851, %sub3A_840 : vector<64x42x128xf32>
    %mul3A_853 = arith.mulf %broadcast_in_dim3A_23, %mul3A_852 : vector<64x42x128xf32>
    %add3A_854 = arith.addf %add3A_835, %mul3A_853 : vector<64x42x128xf32>
    %div3A_855 = arith.constant 5.000000e+00 : f32
    %div3A_856 = vector.broadcast %div3A_855 : f32 to vector<64x42x128xf32>
    %div3A_857 = arith.divf %div3A_856, %mul3A_667 : vector<64x42x128xf32>
    %mul3A_858 = arith.mulf %div3A_857, %sub3A_840 : vector<64x42x128xf32>
    %sub3A_859 = arith.subf %mul3A_858, %sub3A_756 : vector<64x42x128xf32>
    %mul3A_860 = arith.constant 5.000000e+00 : f32
    %mul3A_861 = vector.broadcast %mul3A_860 : f32 to vector<64x42x128xf32>
    %mul3A_862 = arith.mulf %mul3A_861, %select_n3A_829 : vector<64x42x128xf32>
    %mul3A_863 = arith.mulf %mul3A_862, %div3A_851 : vector<64x42x128xf32>
    %mul3A_864 = arith.constant 2.000000e+00 : f32
    %mul3A_865 = vector.broadcast %mul3A_864 : f32 to vector<64x42x128xf32>
    %mul3A_866 = arith.mulf %mul3A_865, %select_n3A_829 : vector<64x42x128xf32>
    %sub3A_867 = arith.subf %mul3A_863, %mul3A_866 : vector<64x42x128xf32>
    %div3A_868 = arith.constant 3.000000e+00 : f32
    %div3A_869 = vector.broadcast %div3A_868 : f32 to vector<64x42x128xf32>
    %div3A_870 = arith.divf %sub3A_867, %div3A_869 : vector<64x42x128xf32>
    %mul3A_871 = arith.mulf %div3A_870, %sub3A_859 : vector<64x42x128xf32>
    %mul3A_872 = arith.mulf %broadcast_in_dim3A_28, %mul3A_871 : vector<64x42x128xf32>
    %add3A_873 = arith.addf %add3A_854, %mul3A_872 : vector<64x42x128xf32>
    %div3A_874 = arith.constant 7.000000e+00 : f32
    %div3A_875 = vector.broadcast %div3A_874 : f32 to vector<64x42x128xf32>
    %div3A_876 = arith.divf %div3A_875, %mul3A_667 : vector<64x42x128xf32>
    %mul3A_877 = arith.mulf %div3A_876, %sub3A_859 : vector<64x42x128xf32>
    %sub3A_878 = arith.subf %mul3A_877, %sub3A_840 : vector<64x42x128xf32>
    %mul3A_879 = arith.constant 7.000000e+00 : f32
    %mul3A_880 = vector.broadcast %mul3A_879 : f32 to vector<64x42x128xf32>
    %mul3A_881 = arith.mulf %mul3A_880, %select_n3A_829 : vector<64x42x128xf32>
    %mul3A_882 = arith.mulf %mul3A_881, %div3A_870 : vector<64x42x128xf32>
    %mul3A_883 = arith.constant 3.000000e+00 : f32
    %mul3A_884 = vector.broadcast %mul3A_883 : f32 to vector<64x42x128xf32>
    %mul3A_885 = arith.mulf %mul3A_884, %div3A_851 : vector<64x42x128xf32>
    %sub3A_886 = arith.subf %mul3A_882, %mul3A_885 : vector<64x42x128xf32>
    %div3A_887 = arith.constant 4.000000e+00 : f32
    %div3A_888 = vector.broadcast %div3A_887 : f32 to vector<64x42x128xf32>
    %div3A_889 = arith.divf %sub3A_886, %div3A_888 : vector<64x42x128xf32>
    %mul3A_890 = arith.mulf %div3A_889, %sub3A_878 : vector<64x42x128xf32>
    %mul3A_891 = arith.mulf %broadcast_in_dim3A_33, %mul3A_890 : vector<64x42x128xf32>
    %add3A_892 = arith.addf %add3A_873, %mul3A_891 : vector<64x42x128xf32>
    %div3A_893 = arith.constant 9.000000e+00 : f32
    %div3A_894 = vector.broadcast %div3A_893 : f32 to vector<64x42x128xf32>
    %div3A_895 = arith.divf %div3A_894, %mul3A_667 : vector<64x42x128xf32>
    %mul3A_896 = arith.mulf %div3A_895, %sub3A_878 : vector<64x42x128xf32>
    %sub3A_897 = arith.subf %mul3A_896, %sub3A_859 : vector<64x42x128xf32>
    %mul3A_898 = arith.constant 9.000000e+00 : f32
    %mul3A_899 = vector.broadcast %mul3A_898 : f32 to vector<64x42x128xf32>
    %mul3A_900 = arith.mulf %mul3A_899, %select_n3A_829 : vector<64x42x128xf32>
    %mul3A_901 = arith.mulf %mul3A_900, %div3A_889 : vector<64x42x128xf32>
    %mul3A_902 = arith.constant 4.000000e+00 : f32
    %mul3A_903 = vector.broadcast %mul3A_902 : f32 to vector<64x42x128xf32>
    %mul3A_904 = arith.mulf %mul3A_903, %div3A_870 : vector<64x42x128xf32>
    %sub3A_905 = arith.subf %mul3A_901, %mul3A_904 : vector<64x42x128xf32>
    %div3A_906 = arith.constant 5.000000e+00 : f32
    %div3A_907 = vector.broadcast %div3A_906 : f32 to vector<64x42x128xf32>
    %div3A_908 = arith.divf %sub3A_905, %div3A_907 : vector<64x42x128xf32>
    %mul3A_909 = arith.mulf %div3A_908, %sub3A_897 : vector<64x42x128xf32>
    %mul3A_910 = arith.mulf %broadcast_in_dim3A_38, %mul3A_909 : vector<64x42x128xf32>
    %add3A_911 = arith.addf %add3A_892, %mul3A_910 : vector<64x42x128xf32>
    %div3A_912 = arith.constant 1.100000e+01 : f32
    %div3A_913 = vector.broadcast %div3A_912 : f32 to vector<64x42x128xf32>
    %div3A_914 = arith.divf %div3A_913, %mul3A_667 : vector<64x42x128xf32>
    %mul3A_915 = arith.mulf %div3A_914, %sub3A_897 : vector<64x42x128xf32>
    %sub3A_916 = arith.subf %mul3A_915, %sub3A_878 : vector<64x42x128xf32>
    %mul3A_917 = arith.constant 1.100000e+01 : f32
    %mul3A_918 = vector.broadcast %mul3A_917 : f32 to vector<64x42x128xf32>
    %mul3A_919 = arith.mulf %mul3A_918, %select_n3A_829 : vector<64x42x128xf32>
    %mul3A_920 = arith.mulf %mul3A_919, %div3A_908 : vector<64x42x128xf32>
    %mul3A_921 = arith.constant 5.000000e+00 : f32
    %mul3A_922 = vector.broadcast %mul3A_921 : f32 to vector<64x42x128xf32>
    %mul3A_923 = arith.mulf %mul3A_922, %div3A_889 : vector<64x42x128xf32>
    %sub3A_924 = arith.subf %mul3A_920, %mul3A_923 : vector<64x42x128xf32>
    %div3A_925 = arith.constant 6.000000e+00 : f32
    %div3A_926 = vector.broadcast %div3A_925 : f32 to vector<64x42x128xf32>
    %div3A_927 = arith.divf %sub3A_924, %div3A_926 : vector<64x42x128xf32>
    %mul3A_928 = arith.mulf %div3A_927, %sub3A_916 : vector<64x42x128xf32>
    %mul3A_929 = arith.mulf %broadcast_in_dim3A_43, %mul3A_928 : vector<64x42x128xf32>
    %add3A_930 = arith.addf %add3A_911, %mul3A_929 : vector<64x42x128xf32>
    %mul3A_931 = arith.mulf %select_n3A_666, %add3A_930 : vector<64x42x128xf32>
    %transpose3A_932 = tpu.transpose %mul3A_931, [0, 2, 1] : vector<64x42x128xf32> -> vector<64x128x42xf32>
    %reshape3A_933 = vector.shape_cast %transpose3A_932 : vector<64x128x42xf32> to vector<8192x42xf32>
    %swap3A_934 = arith.constant 16384 : index
    %swap3A_935 = arith.constant 0 : index
    %swap3A_936 = vector.load %arg4[%swap3A_934, %swap3A_935] : memref<24576x42xf32, #tpu.memory_space<vmem>>, vector<8192x42xf32>
    tpu.vector_store %arg4[%swap3A_934, %swap3A_935], %reshape3A_933 {strides = array<i32>} : memref<24576x42xf32, #tpu.memory_space<vmem>>, vector<8192x42xf32>,
    return
  }
  func.func @transform_0(%arg0: i32) -> (i32, i32) {
    %c0_i32 = arith.constant 0 : i32
    %c0_i32_0 = arith.constant 0 : i32
    %c0_i32_1 = arith.constant 0 : i32
    return %c0_i32, %c0_i32_0 : i32, i32
  }
  func.func @transform_1(%arg0: i32) -> (i32, i32) {
    %c0_i32 = arith.constant 0 : i32
    %c0_i32_0 = arith.constant 0 : i32
    return %arg0, %c0_i32 : i32, i32
  }
  func.func @transform_2(%arg0: i32) -> (i32, i32) {
    %c0_i32 = arith.constant 0 : i32
    %c0_i32_0 = arith.constant 0 : i32
    return %arg0, %c0_i32 : i32, i32
  }
  func.func @transform_3(%arg0: i32) -> (i32, i32) {
    %c0_i32 = arith.constant 0 : i32
    %c0_i32_0 = arith.constant 0 : i32
    return %arg0, %c0_i32 : i32, i32
  }
}

</mosaic_0001>

<sc_bundles>
// kernel: kernel.4.cloned.1.call-start
scs
__scs_entry_jumppad:
0x0: {  	(pc) =	sbr.rel $0x88, $3  }
0x1: {  	(tag) =	ssettag $0x0;
	lr =	simm.s32 $0x1  }
0x2: {  	[smem:$0x3F9E] =	sst lr;
	_ =	strace $0xD0000000  }
0x3: {  	_ = 	snop  }
0x4: {  	_ = 	snop  }
0x5: {  	_ = 	snop  }
0x6: {  	_ = 	snop  }
0x7: {  	_ = 	snop  }
__scs_overlays_trampoline_lowered:
0x8: {  	[smem:$0x3FAD] =	sst s0  }
0x9: {  	[smem:$0x3FAE] =	sst s1  }
0xa: {  	[smem:$0x3FAF] =	sst s2  }
0xb: {  	[smem:$0x3FB0] =	sst s3  }
0xc: {  	[smem:$0x3FB1] =	sst s4  }
0xd: {  	[smem:$0x3FB2] =	sst s5  }
0xe: {  	[smem:$0x3FB3] =	sst s6  }
0xf: {  	[smem:$0x3FB4] =	sst s7  }
0x10: {  	[smem:$0x3FB5] =	sst s8  }
0x11: {  	[smem:$0x3FB6] =	sst s9;
	s0 =	simm.s32 @!p0 $0x0  }
0x12: {  	s1 =	sld [smem:$0x3F9C];
	s0 =	simm.s32 @p0 $0x1  }
0x13: {  	[smem:$0x3FB7] =	sst s0;
	s0 =	simm.s32 @!p1 $0x0  }
0x14: {  	s2 =	sld [smem:$0x3F9B];
	s0 =	simm.s32 @p1 $0x1  }
0x15: {  	[smem:$0x3FB8] =	sst s0;
	s0 =	simm.s32 @!p2 $0x0  }
0x16: {  	s3 =	sld [smem:$0x3FDB];
	s0 =	simm.s32 @p2 $0x1  }
0x17: {  	s4 =	simm.s32 $0x1BF5;
	[smem:$0x3FBA] =	sst s0  }
0x18: {  	s0 =	sld [smem:$0x3F9D];
	_ =	swait.ge [sflag:s4], $0x0  }
0x19: {  	s7 =	sld [smem:$0x3F9E]  }
0x1a: {  	s8 =	sadd.s32 $0xFFFFE003, lr  }
0x1b: {  	s9 =	sadd.s32 $0xFFFFFEF7, lr;
	s5 =	simm.s32 $0xFFFFFFFF;
	p2 =	slt.u32 s8, $0xFFFFF086  }
0x1c: {  	p1 =	slt.u32 s9, $0xF7A;
	s5 =	simm.s32 @!p2 $0x0  }
0x1d: {  	s5 =	simm.s32 @p1 $0x1;
	p0 =	seq.s32 s7, s2  }
0x1e: {  	s7 =	smul.u32 @!p0 $0xF7A, s2;
	p2 =	seq.s32 @!p0 s5, $0x0  }
0x1f: {  	s9 =	smul.u32 $0xF7A, s1;
	s8 =	simm.s32 @!p0 $0x1BF5;
	p2 =	por !p2, p0  }
0x20: {  	[sflag:s8] =	ssyncset.s32 @!p0 $0xFFFFF086;
	s6 =	sadd.s32 @!p0 s3, s7;
	s7 =	simm.s32 @!p0 $0x108  }
0x21: {  	s3 =	sadd.s32 s3, s9;
	s6 =	sadd.s32 @!p0 $0x88, s6;
	s7 =	simm.s32 @p2 $0x1082  }
0x22: {  	[simem:s7], [sflag:s8] =	dma.local @!p0 [hbm:s6], $0xF7A  }
0x23: {  	s9 =	sor.u32 $0xD0000000, s2;
	s6 =	simm.s32 $0x108;
	_ =	swait.ge @!p0 [sflag:s8], $0x0  }
0x24: {  	s3 =	sadd.s32 $0x88, s3;
	s6 =	simm.s32 @!p1 $0x1082;
	[sflag:s4] =	ssyncset.s32 $0xFFFFF086  }
0x25: {  	[simem:s6], [sflag:s4] =	dma.local [hbm:s3], $0xF7A  }
0x26: {  	[smem:$0x3F9E] =	sst s1;
	(tag) =	ssettag s2;
	_ =	strace s9  }
0x27: {  	s1 =	sld [smem:$0x3FAE]  }
0x28: {  	s2 =	sld [smem:$0x3FAF]  }
0x29: {  	s4 =	sld [smem:$0x3FB1]  }
0x2a: {  	p0 =	seq.s32 s5, $0x0;
	s5 =	sld [smem:$0x3FB2]  }
0x2b: {  	s6 =	sld [smem:$0x3FB3]  }
0x2c: {  	s7 =	sld [smem:$0x3FB4]  }
0x2d: {  	s3 =	simm.s32 $0x108;
	s8 =	sld [smem:$0x3FB5]  }
0x2e: {  	s3 =	simm.s32 @!p0 $0x1082;
	s9 =	sld [smem:$0x3FB6]  }
0x2f: {  	lr =	sadd.s32 s0, s3;
	s0 =	sld [smem:$0x3FAD]  }
0x30: {  	s3 =	sld [smem:$0x3FB0]  }
0x31: {  	[smem:$0x3FB9] =	sst s10  }
0x32: {  	s10 =	sld [smem:$0x3FB7];
	_ =	sdelay $0x3  }
0x33: {  	p0 =	seq.s32 s10, $0x1;
	s10 =	sld [smem:$0x3FB9];
	_ =	sdelay $0x3  }
0x34: {  	[smem:$0x3FB9] =	sst s10  }
0x35: {  	s10 =	sld [smem:$0x3FB8];
	_ =	sdelay $0x3  }
0x36: {  	p1 =	seq.s32 s10, $0x1;
	s10 =	sld [smem:$0x3FB9];
	_ =	sdelay $0x3  }
0x37: {  	[smem:$0x3FB9] =	sst s10  }
0x38: {  	s10 =	sld [smem:$0x3FBA]  }
0x39: {  	_ = 	snop;
	(pc) =	sbr.ind lr, $3  }
0x3a: {  	_ = 	snop  }
0x3b: {  	_ = 	snop  }
0x3c: {  	p2 =	seq.s32 s10, $0x1;
	s10 =	sld [smem:$0x3FB9]  }
0x3d: {  	_ =	shalt  }
0x3e: {  	_ =	shalt  }
0x3f: {  	_ =	shalt  }
0x40: {  	_ =	shalt  }
0x41: {  	_ =	shalt  }
0x42: {  	_ =	shalt  }
0x43: {  	_ =	shalt  }
0x44: {  	_ =	shalt  }
0x45: {  	_ =	shalt  }
0x46: {  	_ =	shalt  }
0x47: {  	_ =	shalt  }
0x48: {  	_ =	shalt  }
0x49: {  	_ =	shalt  }
0x4a: {  	_ =	shalt  }
0x4b: {  	_ =	shalt  }
0x4c: {  	_ =	shalt  }
0x4d: {  	_ =	shalt  }
0x4e: {  	_ =	shalt  }
0x4f: {  	_ =	shalt  }
0x50: {  	_ =	shalt  }
0x51: {  	_ =	shalt  }
0x52: {  	_ =	shalt  }
0x53: {  	_ =	shalt  }
0x54: {  	_ =	shalt  }
0x55: {  	_ =	shalt  }
0x56: {  	_ =	shalt  }
0x57: {  	_ =	shalt  }
0x58: {  	_ =	shalt  }
0x59: {  	_ =	shalt  }
0x5a: {  	_ =	shalt  }
0x5b: {  	_ =	shalt  }
0x5c: {  	_ =	shalt  }
0x5d: {  	_ =	shalt  }
0x5e: {  	_ =	shalt  }
0x5f: {  	_ =	shalt  }
0x60: {  	_ =	shalt  }
0x61: {  	_ =	shalt  }
0x62: {  	_ =	shalt  }
0x63: {  	_ =	shalt  }
0x64: {  	_ =	shalt  }
0x65: {  	_ =	shalt  }
0x66: {  	_ =	shalt  }
0x67: {  	_ =	shalt  }
0x68: {  	_ =	shalt  }
0x69: {  	_ =	shalt  }
0x6a: {  	_ =	shalt  }
0x6b: {  	_ =	shalt  }
0x6c: {  	_ =	shalt  }
0x6d: {  	_ =	shalt  }
0x6e: {  	_ =	shalt  }
0x6f: {  	_ =	shalt  }
0x70: {  	_ =	shalt  }
0x71: {  	_ =	shalt  }
0x72: {  	_ =	shalt  }
0x73: {  	_ =	shalt  }
0x74: {  	_ =	shalt  }
0x75: {  	_ =	shalt  }
0x76: {  	_ =	shalt  }
0x77: {  	_ =	shalt  }
0x78: {  	_ =	shalt  }
0x79: {  	_ =	shalt  }
0x7a: {  	_ =	shalt  }
0x7b: {  	_ =	shalt  }
0x7c: {  	_ =	shalt  }
0x7d: {  	_ =	shalt  }
0x7e: {  	_ =	shalt  }
0x7f: {  	_ =	shalt  }
0x80: {  	_ =	shalt  }
0x81: {  	_ =	shalt  }
0x82: {  	_ =	shalt  }
0x83: {  	_ =	shalt  }
0x84: {  	_ =	shalt  }
0x85: {  	_ =	shalt  }
0x86: {  	_ =	shalt  }
0x87: {  	_ =	shalt  }
.Lfunc_end0:
.L_simem_size_0:
called_computation_lowered:
.L_overlay_start_0:
0x88: {  	s2 =	sld [smem:$0x3FD9]  }
0x89: {  	s3 =	sld [smem:$0x3FFE];
	_ =	sdelay $0x1  }
0x8a: {  	s1 =	srdreg.scid  }
0x8b: {  	s0 =	sand.u32 $0x1, s1  }
0x8c: {  	s18 =	sshll.u32 s0, $0xA;
	s2 =	sadd.s32 s3, s2  }
0x8d: {  	s2 =	sadd.s32 s2, s18  }
0x8e: {  	[smem:$0x3FC5] =	sst s2  }
0x8f: {  	_ = 	snop  }
0x90: {  	s2 =	sld [smem:$0x3FC9]  }
0x91: {  	s19 =	sld [smem:$0x3FC7]  }
0x92: {  	s4 =	sld [smem:$0x3FD0];
	(tm) =	ssettm $0x1  }
0x93: {  	s5 =	sld [smem:$0x3FFB];
	_ =	sdelay $0x3  }
0x94: {  	_ =	strace s5  }
0x95: {  	s5 =	sld [smem:$0x3FFC];
	_ =	sdelay $0x3  }
0x96: {  	_ =	strace s5  }
0x97: {  	s5 =	sld [smem:$0x3FFD];
	_ =	sdelay $0x3  }
0x98: {  	_ =	strace s5  }
0x99: {  	_ =	strace $0x8FFFFFFF  }
0x9a: {  	s20 =	sld [smem:$0x3FDB];
	_ =	sdelay $0x1  }
0x9b: {  	s6 =	simm.s32 $_scs_section_size  }
0x9c: {  	s7 =	simm.s32 $_size__tile_overlayer_lowered;
	s8 =	simm.s32 $_tile_overlayer_lowered  }
0x9d: {  	s23 =	simm.s32 $0x1BFF;
	s22 =	sshll.u32 s8, $0x1;
	s5 =	sadd.s32 s6, s20  }
0x9e: {  	s9 =	simm.s32 $0x0;
	s21 =	sshll.u32 s7, $0x1;
	s7 =	sadd.s32 s22, s5  }
0x9f: {  	[timem:s9], [sflag:s23] =	dma.local [hbm:s7], s21  }
0xa0: {  	_ =	swait.ge [sflag:s23], s21  }
0xa1: {  	s6 =	ssub.s32 $0x0, s21;
	[sflag:s23] =	ssyncset.done $0x0  }
0xa2: {  	[sflag:s23] =	ssyncadd.s32 s6;
	_ =	sdelay $0x1  }
0xa3: {  	s24 =	simm.s32 $0x1B8B  }
0xa4: {  	_ =	swait.ge [sflag:s24], $0x1  }
0xa5: {  	[sflag:s24] =	ssyncset.done $0x0  }
0xa6: {  	s25 =	simm.s32 $0x1B8E;
	[sflag:s24] =	ssyncadd.s32 $0xFFFFFFFF  }
0xa7: {  	s26 =	simm.s32 $execute0_lowered;
	[smem:$0x3FD2] =	sst s25  }
0xa8: {  	s6 =	sshll.u32 s26, $0x1;
	_ =	strace $0x80000046;
	[dreg:$0x1] =	wrdreg $0xFFFFFFFF  }
0xa9: {  	s28 =	simm.s32 $_size_execute0_lowered;
	s5 =	sadd.s32 s5, s6;
	[dreg:$0x0] =	wrdreg $0x0  }
0xaa: {  	s6 =	sshll.u32 s28, $0x1;
	[dreg:$0x2] =	wrdreg s5  }
0xab: {  	[dreg:$0x3] =	wrdreg s6  }
0xac: {  	[dreg:$0x4] =	wrdreg $0xC0  }
0xad: {  	_ =	task [dreg:s9], $0x5FFFF  }
0xae: {  	[dreg:$0x1] =	wrdreg $0xFFFFFFFF  }
0xaf: {  	[dreg:$0x0] =	wrdreg $0x60  }
0xb0: {  	[dreg:$0x2] =	wrdreg s2  }
0xb1: {  	[dreg:$0x3] =	wrdreg s19  }
0xb2: {  	[dreg:$0x4] =	wrdreg s4  }
0xb3: {  	[dreg:$0x5] =	wrdreg $0x9  }
0xb4: {  	_ =	task.clear_ibuf [dreg:s9], $0x6FFFF;
	_ =	strace $0x90000046  }
0xb5: {  	s29 =	simm.s32 $0x9;
	_ =	strace $0x80000048  }
0xb6: {  	_ =	swait.ge [sflag:s29], $0x1  }
0xb7: {  	[sflag:s29] =	ssyncadd.s32 $0xFFFFFFFF  }
0xb8: {  	_ =	strace $0x90000048  }
0xb9: {  	_ =	sfence  }
0xba: {  	s30 =	sld [smem:$0x0];
	_ =	sdelay $0x2  }
0xbb: {  	s31 =	sshll.u32 s1, $0xD;
	s1 =	sshrl.u32 s1, $0x2  }
0xbc: {  	s3 =	sand.u32 $0x4000, s31;
	s1 =	sadd.s32 s1, s30  }
0xbd: {  	s0 =	sor.u32 s3, s0;
	s1 =	sshll.u32 s1, $0x11  }
0xbe: {  	s0 =	sor.u32 s1, s0  }
0xbf: {  	s0 =	sadd.s32 $0x8F2B, s0  }
0xc0: {  	[sflag:s0] =	ssyncadd.remote.s32 $0x1  }
0xc1: {  	_ =	sfence.sel $0xFFFF  }
0xc2: {  	[dreg:$0x0] =	wrdreg $0xFFFFFFFF;
	(pc) =	sbr.abs _section_cstart, $3  }
0xc3: {  	[dreg:$0x1] =	wrdreg $0xFFFFFFFF  }
0xc4: {  	_ =	task.clear_ibuf [dreg:s9], $0x2FFFF;
	_ =	strace $0x9FFFFFFF  }
0xc5: {  	(tm) =	ssettm $0x7FFFFFFF  }
tec
execute0_lowered:
.L_overlay_start_1:
0x0: {  	(tag) =	ssettag $0x1  }
0x1: {  	s1 =	rddreg [dreg:$0x0]  }
0x2: {  	s2 =	srdreg.scid;
	s0 =	stileid.u32  }
0x3: {  	s4 =	rddreg [dreg:$0x1];
	s6 =	sand.u32 $0x1, s2;
	s30 =	sshll.u32 s0, $0x1  }
0x4: {  	s9 =	rddreg [dreg:$0x2];
	s3 =	simm.s32 $0x0;
	s5 =	sor.u32 s6, s30  }
0x5: {  	[smem:$0x7FF] =	sst s3;
	s10 =	smul.u32 $0x186A, s5  }
0x6: {  	s2 =	rddreg [dreg:$0x3];
	_ =	strace $0x80000047  }
0x7: {  	s11 =	ssub.s32 $0x2, s6;
	s5 =	sadd.s32 s4, s10;
	s4 =	simm.s32 $0x2  }
0x8: {  	[tilespmem:s3], [sflag:$0x2] =	stream.linear.gather [hbm4b:s5+s3], $0xC350, $0x38;
	[tilespmem:$0x18700] =	vst v63  }
0x9: {  	s7 =	simm.s32 $0xC380;
	s12 =	sshrl.u32 s11, $0x1;
	_ =	swait.ge [sflag:s4], $0xC350  }
0xa: {  	s8 =	simm.s32 $0x1;
	s11 =	ssub.s32 s11, s12;
	[sflag:s4] =	ssyncset.done $0x0  }
0xb: {  	s6 =	simm.s32 $0xC350;
	s31 =	smax.u32 s11, $0x1;
	[sflag:s4] =	ssyncadd.s32 $0xFFFF3CB0  }
0xc: {  	[tilespmem:s7], [sflag:$0x1] =	stream.indirect.gather [hbm4b:s1+s6], $0x1, s3, s6, $0xb8;
	[tilespmem:$0x18700] =	vst v63  }
0xd: {  	p0 =	sne.s32 s31, $0x1;
	_ =	swait.ge [sflag:s8], $0xC350  }
.Ltmp0:
0xe: {  	[sflag:s8] =	ssyncset.done $0x0;
	(pc) =	sbr.rel @!p0 .LBB2_2-.Ltmp0, $4  }
0xf: {  	s9 =	sadd.s32 s9, s10;
	[sflag:s8] =	ssyncadd.s32 $0xFFFF3CB0  }
0x10: {  	[hbm4b:s9+s3] =	stream.linear.scatter [tilespmem:s7], [sflag:$0x2], $0xC350, $0x38;
	[tilespmem:$0x18700] =	vst v63  }
0x11: {  	_ =	swait.ge [sflag:s4], $0xC350  }
0x12: {  	s10 =	sadd.s32 $0xFFFFFFFF, s31;
	[sflag:s4] =	ssyncset.done $0x0  }
.LBB2_1:
0x13: {  	p0 =	sne.s32 s10, $0x1;
	s10 =	sadd.s32 $0xFFFFFFFF, s10;
	[sflag:s4] =	ssyncadd.s32 $0xFFFF3CB0  }
0x14: {  	[tilespmem:s3], [sflag:$0x2] =	stream.linear.gather [hbm4b:s5+s3], $0xC350, $0x38;
	[tilespmem:$0x18700] =	vst v63  }
0x15: {  	_ =	swait.ge [sflag:s4], $0xC350  }
0x16: {  	[sflag:s4] =	ssyncset.done $0x0  }
0x17: {  	[sflag:s4] =	ssyncadd.s32 $0xFFFF3CB0  }
0x18: {  	[tilespmem:s7], [sflag:$0x1] =	stream.indirect.gather [hbm4b:s1+s6], $0x1, s3, s6, $0xb8;
	[tilespmem:$0x18700] =	vst v63  }
0x19: {  	_ =	swait.ge [sflag:s8], $0xC350  }
.Ltmp1:
0x1a: {  	[sflag:s8] =	ssyncset.done $0x0;
	(pc) =	sbr.rel @p0 .LBB2_1-.Ltmp1, $4  }
0x1b: {  	[sflag:s8] =	ssyncadd.s32 $0xFFFF3CB0  }
0x1c: {  	[hbm4b:s9+s3] =	stream.linear.scatter [tilespmem:s7], [sflag:$0x2], $0xC350, $0x38;
	[tilespmem:$0x18700] =	vst v63  }
0x1d: {  	_ =	swait.ge [sflag:s4], $0xC350  }
0x1e: {  	[sflag:s4] =	ssyncset.done $0x0  }
.LBB2_2:
0x1f: {  	[sflag:s4] =	ssyncadd.s32 $0xFFFF3CB0  }
0x20: {  	_ =	sfence.sel $0x180000  }
0x21: {  	[bflag:$0x0] =	sbarrier.arrive $0xFFFF  }
0x22: {  	p0 =	sne.s32 s0, $0x0;
	_ =	strace $0x90000047  }
0x23: {  	s0 =	sadd.s32 @!p0 $0x100000, s2;
	[bflag:$0x2] =	sbarrier.arrive $0xFFFF  }
0x24: {  	[sflag:s0] =	ssyncadd.tile.s32 @!p0 $0x1;
	_ =	shalt  }
.Lfunc_end2:
_tile_overlayer_lowered:
.L_overlay_start_2:
0x25: {  	(tag) =	ssettag $0x2  }
0x26: {  	s0 =	rddreg [dreg:$0x0];
	s2 =	stileid.u32  }
0x27: {  	s1 =	rddreg [dreg:$0x1];
	p0 =	sne.s32 s2, $0x0  }
0x28: {  	s3 =	rddreg [dreg:$0x2];
	[bflag:$0x3] =	sbarrier.arrive $0xFFFF;
	s2 =	simm.s32 @!p0 $0x1C02  }
0x29: {  	[timem:s3], [sflag:s2] =	dma.local @!p0 [hbm:s0], s1  }
0x2a: {  	s0 =	simm.s32 @!p0 $0x2  }
0x2b: {  	_ =	swait.ge @!p0 [sflag:s0], s1  }
0x2c: {  	s1 =	ssub.s32 @!p0 $0x0, s1;
	[sflag:s0] =	ssyncset.done @!p0 $0x0  }
0x2d: {  	[sflag:s0] =	ssyncadd.s32 @!p0 s1  }
0x2e: {  	[bflag:$0x3] =	sbarrier.arrive $0xFFFF  }
0x2f: {  	_ =	shalt  }

</sc_bundles>
